<compile_context>
chip_gen: v7x
topology: tpu7x:2x2x1
jax: 0.10.2.dev20260603
libtpu: 0.0.44.dev20260713+nightly
codegen_flags: <defaults>
</compile_context>

<pallas_src>
import functools

import jax
import jax.numpy as jnp
from jax import lax
from jax.experimental import pallas as pl
from jax.experimental.pallas import tpu as pltpu
from jax.experimental.pallas import tpu_sc as plsc

N = 10000
E = 320000
F = 128
H = 4
C = 32
HC = H * C

NC = 2
NS = 16
NW = NC * NS
EW = E // NW
K = 80
NCH = EW // K
IB = 5
NOB = NCH // IB

_MESH = plsc.VectorSubcoreMesh(core_axis_name="c", subcore_axis_name="s")
_PREC = jax.lax.Precision.HIGHEST


def _proj_body(x_ref, wl_ref, wr_ref, xl_ref, xr_ref):
    xb = x_ref[...]
    xl_ref[...] = jnp.dot(xb, wl_ref[...], preferred_element_type=jnp.float32,
                          precision=_PREC)
    xr_ref[...] = jnp.dot(xb, wr_ref[...], preferred_element_type=jnp.float32,
                          precision=_PREC)


def _proj(x, W_l, W_r):
    blk = 2000
    return pl.pallas_call(
        _proj_body,
        grid=(N // blk,),
        in_specs=[
            pl.BlockSpec((blk, F), lambda i: (i, 0)),
            pl.BlockSpec((F, HC), lambda i: (0, 0)),
            pl.BlockSpec((F, HC), lambda i: (0, 0)),
        ],
        out_specs=[
            pl.BlockSpec((blk, HC), lambda i: (i, 0)),
            pl.BlockSpec((blk, HC), lambda i: (i, 0)),
        ],
        out_shape=[
            jax.ShapeDtypeStruct((N, HC), jnp.float32),
            jax.ShapeDtypeStruct((N, HC), jnp.float32),
        ],
    )(x, W_l, W_r)


def _sc_pass_a(xl, xr, src4, dst4, edge_attr, z128):
    @functools.partial(
        pl.kernel,
        out_type=[
            jax.ShapeDtypeStruct((E, HC), jnp.float32),
            jax.ShapeDtypeStruct((E, HC), jnp.float32),
            jax.ShapeDtypeStruct((NC, N, HC), jnp.float32),
        ],
        mesh=_MESH,
        scratch_types=[
            pltpu.VMEM((IB, K), jnp.int32),
            pltpu.VMEM((IB, K), jnp.int32),
            pltpu.VMEM((K, HC), jnp.float32),
            pltpu.VMEM((K, HC), jnp.float32),
            pltpu.VMEM((K, HC), jnp.float32),
            pltpu.VMEM_SHARED((N, HC), jnp.float32),
            pltpu.SemaphoreType.DMA,
            pltpu.SemaphoreType.DMA,
            pltpu.SemaphoreType.DMA,
            pltpu.SemaphoreType.DMA,
            pltpu.SemaphoreType.DMA,
            pltpu.SemaphoreType.DMA,
        ],
    )
    def k(xl_hbm, xr_hbm, src_hbm, dst_hbm, ea_hbm, z128_hbm,
          xs_hbm, xrd_hbm, sums_hbm,
          sidx, didx, xlb, xrb, eab, sums_sh,
          sA, sB, sC, sD, sE, sF):
        cid = lax.axis_index("c")
        sid = lax.axis_index("s")
        wid = sid * NC + cid
        base = wid * EW

        @pl.when(sid == 0)
        def _():
            pltpu.sync_copy(z128_hbm, sums_sh)

        plsc.subcore_barrier()

        @pl.loop(0, NOB)
        def _(ob):
            pltpu.sync_copy(src_hbm.at[wid, ob], sidx)
            pltpu.sync_copy(dst_hbm.at[wid, ob], didx)

            @pl.loop(0, IB)
            def _(jb):
                off = base + (ob * IB + jb) * K
                hA = pltpu.async_copy(xl_hbm.at[sidx.at[jb]], xlb, sA)
                hB = pltpu.async_copy(xr_hbm.at[didx.at[jb]], xrb, sB)
                hC = pltpu.async_copy(ea_hbm.at[pl.ds(off, K)], eab, sC)
                hA.wait()
                hD = pltpu.async_copy(xlb, xs_hbm.at[pl.ds(off, K)], sD)
                hB.wait()
                hE = pltpu.async_copy(xrb, xrd_hbm.at[pl.ds(off, K)], sE)
                hC.wait()
                hF = pltpu.async_copy(eab, sums_sh.at[didx.at[jb]], sF, add=True)
                hD.wait()
                hE.wait()
                hF.wait()

        plsc.subcore_barrier()

        @pl.when(sid == 0)
        def _():
            pltpu.sync_copy(sums_sh, sums_hbm.at[cid])

    return k(xl, xr, src4, dst4, edge_attr, z128)


def _attn_body(ea_ref, xs_ref, xrd_ref, we_ref, a_ref, b_ref, p128w_ref,
               c128_ref, p128_ref, scaled_ref):
    e = jnp.dot(ea_ref[...], we_ref[...], preferred_element_type=jnp.float32)
    xs = xs_ref[...]
    m = xs + xrd_ref[...] + e
    m = jnp.maximum(m, 0.2 * m)
    lg = jnp.dot(m, a_ref[...], preferred_element_type=jnp.float32)
    p = jnp.exp(lg)
    p128_ref[...] = (
        jnp.dot(p, p128w_ref[...], preferred_element_type=jnp.float32)
        + c128_ref[...]
    )
    scaled_ref[...] = xs * jnp.dot(p, b_ref[...],
                                   preferred_element_type=jnp.float32)


def _attn(edge_attr, xs, xrd, W_e, A, B4, P128, c128):
    blk = 2000
    return pl.pallas_call(
        _attn_body,
        grid=(E // blk,),
        in_specs=[
            pl.BlockSpec((blk, F), lambda i: (i, 0)),
            pl.BlockSpec((blk, HC), lambda i: (i, 0)),
            pl.BlockSpec((blk, HC), lambda i: (i, 0)),
            pl.BlockSpec((F, HC), lambda i: (0, 0)),
            pl.BlockSpec((HC, H), lambda i: (0, 0)),
            pl.BlockSpec((H, HC), lambda i: (0, 0)),
            pl.BlockSpec((H, HC), lambda i: (0, 0)),
            pl.BlockSpec((1, HC), lambda i: (0, 0)),
        ],
        out_specs=[
            pl.BlockSpec((blk, HC), lambda i: (i, 0)),
            pl.BlockSpec((blk, HC), lambda i: (i, 0)),
        ],
        out_shape=[
            jax.ShapeDtypeStruct((E, HC), jnp.float32),
            jax.ShapeDtypeStruct((E, HC), jnp.float32),
        ],
    )(edge_attr, xs, xrd, W_e, A, B4, P128, c128)


def _sc_segsum(vals, dst4, z128):
    @functools.partial(
        pl.kernel,
        out_type=[
            jax.ShapeDtypeStruct((NC, N, HC), jnp.float32),
        ],
        mesh=_MESH,
        scratch_types=[
            pltpu.VMEM((IB, K), jnp.int32),
            pltpu.VMEM((K, HC), jnp.float32),
            pltpu.VMEM_SHARED((N, HC), jnp.float32),
        ],
    )
    def k(v_hbm, dst_hbm, z128_hbm, acc_hbm, didx, vb, acc_sh):
        cid = lax.axis_index("c")
        sid = lax.axis_index("s")
        wid = sid * NC + cid
        base = wid * EW

        @pl.when(sid == 0)
        def _():
            pltpu.sync_copy(z128_hbm, acc_sh)

        plsc.subcore_barrier()

        @pl.loop(0, NOB)
        def _(ob):
            pltpu.sync_copy(dst_hbm.at[wid, ob], didx)

            @pl.loop(0, IB)
            def _(jb):
                off = base + (ob * IB + jb) * K
                pltpu.sync_copy(v_hbm.at[pl.ds(off, K)], vb)
                pltpu.sync_copy(vb, acc_sh.at[didx.at[jb]], add=True)

        plsc.subcore_barrier()

        @pl.when(sid == 0)
        def _():
            pltpu.sync_copy(acc_sh, acc_hbm.at[cid])

    return k(vals, dst4, z128)[0]


def _final_body(s0_ref, s1_ref, a0_ref, a1_ref, d0_ref, d1_ref,
                xl_ref, xr_ref, we_ref, a_ref, b_ref, bias_ref, out_ref):
    xl = xl_ref[...]
    d128 = d0_ref[...] + d1_ref[...]
    sums = s0_ref[...] + s1_ref[...]
    cnt = jnp.maximum(d128[:, H:H + 1], 1.0)
    la = sums / cnt
    le = jnp.dot(la, we_ref[...], preferred_element_type=jnp.float32,
                 precision=_PREC)
    m = xl + xr_ref[...] + le
    m = jnp.maximum(m, 0.2 * m)
    lg = jnp.dot(m, a_ref[...], preferred_element_type=jnp.float32,
                 precision=_PREC)
    lp = jnp.exp(lg)
    dtot = d128[:, :H] + lp
    inv = 1.0 / (dtot + 1e-16)
    acc = a0_ref[...] + a1_ref[...]
    out = acc * jnp.dot(inv, b_ref[...], preferred_element_type=jnp.float32,
                        precision=_PREC)
    out = out + xl * jnp.dot(lp * inv, b_ref[...],
                             preferred_element_type=jnp.float32,
                             precision=_PREC)
    out_ref[...] = out + bias_ref[...]


def _final(sums_pc, acc_pc, den_pc, xl, xr, W_e, A, B4, bias2):
    blk = 2000
    return pl.pallas_call(
        _final_body,
        grid=(N // blk,),
        in_specs=[
            pl.BlockSpec((blk, HC), lambda i: (i, 0)),
            pl.BlockSpec((blk, HC), lambda i: (i, 0)),
            pl.BlockSpec((blk, HC), lambda i: (i, 0)),
            pl.BlockSpec((blk, HC), lambda i: (i, 0)),
            pl.BlockSpec((blk, HC), lambda i: (i, 0)),
            pl.BlockSpec((blk, HC), lambda i: (i, 0)),
            pl.BlockSpec((blk, HC), lambda i: (i, 0)),
            pl.BlockSpec((blk, HC), lambda i: (i, 0)),
            pl.BlockSpec((F, HC), lambda i: (0, 0)),
            pl.BlockSpec((HC, H), lambda i: (0, 0)),
            pl.BlockSpec((H, HC), lambda i: (0, 0)),
            pl.BlockSpec((1, HC), lambda i: (0, 0)),
        ],
        out_specs=pl.BlockSpec((blk, HC), lambda i: (i, 0)),
        out_shape=jax.ShapeDtypeStruct((N, HC), jnp.float32),
    )(sums_pc[0], sums_pc[1], acc_pc[0], acc_pc[1], den_pc[0], den_pc[1],
      xl, xr, W_e, A, B4, bias2)


@jax.jit
def kernel(x, edge_index, edge_attr, W_l, W_r, W_e, att, bias):
    src4 = edge_index[0].reshape(NW, NOB, IB, K)
    dst4 = edge_index[1].reshape(NW, NOB, IB, K)
    z128 = jnp.zeros((N, HC), jnp.float32)
    attf = att.reshape(HC)
    B4 = jnp.repeat(jnp.eye(H, dtype=jnp.float32), C, axis=1)
    A = B4.T * attf[:, None]
    P128 = jnp.concatenate(
        [jnp.eye(H, dtype=jnp.float32), jnp.zeros((H, HC - H), jnp.float32)],
        axis=1)
    c128 = jnp.zeros((1, HC), jnp.float32).at[0, H].set(1.0)
    bias2 = bias.reshape(1, HC)

    xl, xr = _proj(x, W_l, W_r)
    xs, xrd, sums_pc = _sc_pass_a(xl, xr, src4, dst4, edge_attr, z128)
    p128, scaled = _attn(edge_attr, xs, xrd, W_e, A, B4, P128, c128)
    acc_pc = _sc_segsum(scaled, dst4, z128)
    den_pc = _sc_segsum(p128, dst4, z128)
    return _final(sums_pc, acc_pc, den_pc, xl, xr, W_e, A, B4, bias2)

# --- scband reference (transcript-rebuilt; emitter-appended) ---
"""Pipeline reference for scband-gatv2-conv-19396072309346 (READ-ONLY COPY).

The authoritative reference and input builder live on the scoring server;
editing this copy changes nothing except your own understanding.
"""

import jax, jax.numpy as jnp
import numpy as np

N = 10000
E = 320000
F = 128
H = 4
C = 32

def setup_inputs(seed: int = 0) -> dict:
    key = jax.random.key(seed)
    ks = jax.random.split(key, 8)
    x = jax.random.normal(ks[0], (N, F), dtype=jnp.float32)
    edge_index = jax.random.randint(ks[1], (2, E), 0, N, dtype=jnp.int32)
    edge_attr = jax.random.normal(ks[2], (E, F), dtype=jnp.float32)
    scale = 1.0 / np.sqrt(F)
    W_l = jax.random.normal(ks[3], (F, H * C), dtype=jnp.float32) * scale
    W_r = jax.random.normal(ks[4], (F, H * C), dtype=jnp.float32) * scale
    W_e = jax.random.normal(ks[5], (F, H * C), dtype=jnp.float32) * scale
    att = jax.random.normal(ks[6], (H, C), dtype=jnp.float32) * (1.0 / np.sqrt(C))
    bias = jnp.zeros((H * C,), dtype=jnp.float32)
    return {"x": x, "edge_index": edge_index, "edge_attr": edge_attr,
            "W_l": W_l, "W_r": W_r, "W_e": W_e, "att": att, "bias": bias}

def reference(x, edge_index, edge_attr, W_l, W_r, W_e, att, bias):
    # PyG GATv2Conv semantics: add_self_loops=True (edge_attr fill_value='mean'),
    # negative_slope=0.2, share_weights=False, concat=True, dropout=0.0 (eval).
    src0 = edge_index[0]
    dst0 = edge_index[1]
    # self-loop edge features = mean of incoming edge features per node
    sums = jax.ops.segment_sum(edge_attr, dst0, num_segments=N)
    cnt = jax.ops.segment_sum(jnp.ones((edge_attr.shape[0],), dtype=edge_attr.dtype), dst0, num_segments=N)
    loop_attr = sums / jnp.maximum(cnt, 1.0)[:, None]
    ar = jnp.arange(N, dtype=src0.dtype)
    src = jnp.concatenate([src0, ar])
    dst = jnp.concatenate([dst0, ar])
    ea = jnp.concatenate([edge_attr, loop_attr], axis=0)
    x_l = (x @ W_l).reshape(N, H, C)
    x_r = (x @ W_r).reshape(N, H, C)
    e_feat = (ea @ W_e).reshape(-1, H, C)
    m = x_l[src] + x_r[dst] + e_feat
    m = jax.nn.leaky_relu(m, 0.2)
    alpha = (m * att[None, :, :]).sum(-1)  # [E+N, H]
    amax = jax.ops.segment_max(alpha, dst, num_segments=N)
    alpha = jnp.exp(alpha - amax[dst])
    denom = jax.ops.segment_sum(alpha, dst, num_segments=N)
    alpha = alpha / (denom[dst] + 1e-16)
    out = jax.ops.segment_sum(x_l[src] * alpha[:, :, None], dst, num_segments=N)
    return out.reshape(N, H * C) + bias

if __name__ == "__main__":
    import jax
    _d = setup_inputs()
    print(jax.jit(kernel)(*tuple(_d.values())))

</pallas_src>

<mosaic_0001>
#map = affine_map<(d0, d1) -> (0, 0)>
#map1 = affine_map<(d0, d1) -> (0, 0, 0, 0)>
#map2 = affine_map<(d0, d1) -> (0, 0, 0)>
module attributes {stable_mosaic.version = 14 : i64} {
  func.func @k(%arg0: i32, %arg1: i32, %arg2: memref<10000x128xf32, #tpu.memory_space<hbm>>, %arg3: memref<10000x128xf32, #tpu.memory_space<hbm>>, %arg4: memref<32x25x5x80xi32, #tpu.memory_space<hbm>>, %arg5: memref<32x25x5x80xi32, #tpu.memory_space<hbm>>, %arg6: memref<320000x128xf32, #tpu.memory_space<hbm>>, %arg7: memref<10000x128xf32, #tpu.memory_space<hbm>>, %arg8: memref<320000x128xf32, #tpu.memory_space<hbm>>, %arg9: memref<320000x128xf32, #tpu.memory_space<hbm>>, %arg10: memref<2x10000x128xf32, #tpu.memory_space<hbm>>, %arg11: memref<5x80xi32, #tpu.memory_space<vmem>>, %arg12: memref<5x80xi32, #tpu.memory_space<vmem>>, %arg13: memref<80x128xf32, #tpu.memory_space<vmem>>, %arg14: memref<80x128xf32, #tpu.memory_space<vmem>>, %arg15: memref<80x128xf32, #tpu.memory_space<vmem>>, %arg16: memref<10000x128xf32, #tpu.memory_space<vmem_shared>>, %arg17: memref<!tpu.dma_semaphore, #tpu.memory_space<semaphore_mem>>, %arg18: memref<!tpu.dma_semaphore, #tpu.memory_space<semaphore_mem>>, %arg19: memref<!tpu.dma_semaphore, #tpu.memory_space<semaphore_mem>>, %arg20: memref<!tpu.dma_semaphore, #tpu.memory_space<semaphore_mem>>, %arg21: memref<!tpu.dma_semaphore, #tpu.memory_space<semaphore_mem>>, %arg22: memref<!tpu.dma_semaphore, #tpu.memory_space<semaphore_mem>>) attributes {dimension_semantics = [#tpu.dimension_semantics<core_parallel>, #tpu.dimension_semantics<subcore_parallel>], iteration_bounds = array<i64: 2, 16>, scalar_prefetch = 0 : i64, scratch_operands = 12 : i64, tpu.core_type = #tpu.core_type<sc_vector_subcore>, window_params = [{transform_indices = #map}, {transform_indices = #map}, {transform_indices = #map1}, {transform_indices = #map1}, {transform_indices = #map}, {transform_indices = #map}, {transform_indices = #map}, {transform_indices = #map}, {transform_indices = #map2}]} {
    %mul3A = arith.constant 2 : i32
    %mul3A_0 = arith.muli %arg1, %mul3A : i32
    %add3A = arith.addi %mul3A_0, %arg0 : i32
    %mul3A_1 = arith.constant 10000 : i32
    %mul3A_2 = arith.muli %add3A, %mul3A_1 : i32
    %eq3A = arith.constant 0 : i32
    %eq3A_3 = arith.cmpi eq, %arg1, %eq3A : i32
    %convert_element_type3A = arith.extui %eq3A_3 : i1 to i32
    %cond3A = arith.constant 0 : i32
    %cond3A_4 = arith.cmpi ne, %convert_element_type3A, %cond3A : i32
    scf.if %cond3A_4 {
      "tpu.region"() ({
        %run_scoped3A = tpu.sem_alloc : memref<!tpu.dma_semaphore, #tpu.memory_space<semaphore_mem>>
        tpu.enqueue_dma source(%arg7 : memref<10000x128xf32, #tpu.memory_space<hbm>>) target(%arg16 : memref<10000x128xf32, #tpu.memory_space<vmem_shared>>) target_semaphore(%run_scoped3A : memref<!tpu.dma_semaphore, #tpu.memory_space<semaphore_mem>>)
        tpu.wait_dma2 semaphore(%run_scoped3A : memref<!tpu.dma_semaphore, #tpu.memory_space<semaphore_mem>>) src(%arg7 : memref<10000x128xf32, #tpu.memory_space<hbm>>) dst(%arg16 : memref<10000x128xf32, #tpu.memory_space<vmem_shared>>)
        tpu.yield
      }) : () -> ()
    } else {
    }
    %barrier3A = arith.constant 0 : index
    tpu.barrier barrier_id(%barrier3A)
    %scan3A = arith.constant 0 : i32
    %scan3A_5 = arith.constant 25 : i32
    %scan3A_6 = arith.addi %scan3A, %scan3A_5 : i32
    %scan3A_7 = arith.constant 1 : i32
    scf.for %scan3A_15 = %scan3A to %scan3A_6 step %scan3A_7  : i32 {
      %mul3A_16 = arith.constant 1 : i32
      %mul3A_17 = arith.muli %scan3A_15, %mul3A_16 : i32
      %add3A_18 = arith.constant 0 : i32
      %add3A_19 = arith.addi %add3A_18, %mul3A_17 : i32
      "tpu.region"() ({
        %run_scoped3A = tpu.sem_alloc : memref<!tpu.dma_semaphore, #tpu.memory_space<semaphore_mem>>
        %dma_start3A = arith.constant 0 : i32
        %dma_start3A_25 = arith.constant 0 : i32
        %dma_start3A_26 = tpu.memref_slice %arg4[%add3A, %add3A_19, %dma_start3A, %dma_start3A_25] : memref<32x25x5x80xi32, #tpu.memory_space<hbm>> -> memref<1x1x5x80xi32, #tpu.memory_space<hbm>>
        %dma_start3A_27 = tpu.memref_squeeze %dma_start3A_26 : memref<1x1x5x80xi32, #tpu.memory_space<hbm>> -> memref<5x80xi32, #tpu.memory_space<hbm>>
        %dma_start3A_28 = arith.constant 0 : i32
        %dma_start3A_29 = arith.constant 0 : i32
        %dma_start3A_30 = tpu.memref_slice %arg4[%add3A, %add3A_19, %dma_start3A_28, %dma_start3A_29] : memref<32x25x5x80xi32, #tpu.memory_space<hbm>> -> memref<1x1x5x80xi32, #tpu.memory_space<hbm>>
        %dma_start3A_31 = tpu.memref_squeeze %dma_start3A_30 : memref<1x1x5x80xi32, #tpu.memory_space<hbm>> -> memref<5x80xi32, #tpu.memory_space<hbm>>
        tpu.enqueue_dma source(%dma_start3A_31 : memref<5x80xi32, #tpu.memory_space<hbm>>) target(%arg11 : memref<5x80xi32, #tpu.memory_space<vmem>>) target_semaphore(%run_scoped3A : memref<!tpu.dma_semaphore, #tpu.memory_space<semaphore_mem>>)
        %dma_wait3A = arith.constant 0 : i32
        %dma_wait3A_32 = arith.constant 0 : i32
        %dma_wait3A_33 = tpu.memref_slice %arg4[%add3A, %add3A_19, %dma_wait3A, %dma_wait3A_32] : memref<32x25x5x80xi32, #tpu.memory_space<hbm>> -> memref<1x1x5x80xi32, #tpu.memory_space<hbm>>
        %dma_wait3A_34 = tpu.memref_squeeze %dma_wait3A_33 : memref<1x1x5x80xi32, #tpu.memory_space<hbm>> -> memref<5x80xi32, #tpu.memory_space<hbm>>
        %dma_wait3A_35 = arith.constant 0 : i32
        %dma_wait3A_36 = arith.constant 0 : i32
        %dma_wait3A_37 = tpu.memref_slice %arg4[%add3A, %add3A_19, %dma_wait3A_35, %dma_wait3A_36] : memref<32x25x5x80xi32, #tpu.memory_space<hbm>> -> memref<1x1x5x80xi32, #tpu.memory_space<hbm>>
        %dma_wait3A_38 = tpu.memref_squeeze %dma_wait3A_37 : memref<1x1x5x80xi32, #tpu.memory_space<hbm>> -> memref<5x80xi32, #tpu.memory_space<hbm>>
        tpu.wait_dma2 semaphore(%run_scoped3A : memref<!tpu.dma_semaphore, #tpu.memory_space<semaphore_mem>>) src(%dma_wait3A_38 : memref<5x80xi32, #tpu.memory_space<hbm>>) dst(%arg11 : memref<5x80xi32, #tpu.memory_space<vmem>>)
        tpu.yield
      }) : () -> ()
      "tpu.region"() ({
        %run_scoped3A = tpu.sem_alloc : memref<!tpu.dma_semaphore, #tpu.memory_space<semaphore_mem>>
        %dma_start3A = arith.constant 0 : i32
        %dma_start3A_25 = arith.constant 0 : i32
        %dma_start3A_26 = tpu.memref_slice %arg5[%add3A, %add3A_19, %dma_start3A, %dma_start3A_25] : memref<32x25x5x80xi32, #tpu.memory_space<hbm>> -> memref<1x1x5x80xi32, #tpu.memory_space<hbm>>
        %dma_start3A_27 = tpu.memref_squeeze %dma_start3A_26 : memref<1x1x5x80xi32, #tpu.memory_space<hbm>> -> memref<5x80xi32, #tpu.memory_space<hbm>>
        %dma_start3A_28 = arith.constant 0 : i32
        %dma_start3A_29 = arith.constant 0 : i32
        %dma_start3A_30 = tpu.memref_slice %arg5[%add3A, %add3A_19, %dma_start3A_28, %dma_start3A_29] : memref<32x25x5x80xi32, #tpu.memory_space<hbm>> -> memref<1x1x5x80xi32, #tpu.memory_space<hbm>>
        %dma_start3A_31 = tpu.memref_squeeze %dma_start3A_30 : memref<1x1x5x80xi32, #tpu.memory_space<hbm>> -> memref<5x80xi32, #tpu.memory_space<hbm>>
        tpu.enqueue_dma source(%dma_start3A_31 : memref<5x80xi32, #tpu.memory_space<hbm>>) target(%arg12 : memref<5x80xi32, #tpu.memory_space<vmem>>) target_semaphore(%run_scoped3A : memref<!tpu.dma_semaphore, #tpu.memory_space<semaphore_mem>>)
        %dma_wait3A = arith.constant 0 : i32
        %dma_wait3A_32 = arith.constant 0 : i32
        %dma_wait3A_33 = tpu.memref_slice %arg5[%add3A, %add3A_19, %dma_wait3A, %dma_wait3A_32] : memref<32x25x5x80xi32, #tpu.memory_space<hbm>> -> memref<1x1x5x80xi32, #tpu.memory_space<hbm>>
        %dma_wait3A_34 = tpu.memref_squeeze %dma_wait3A_33 : memref<1x1x5x80xi32, #tpu.memory_space<hbm>> -> memref<5x80xi32, #tpu.memory_space<hbm>>
        %dma_wait3A_35 = arith.constant 0 : i32
        %dma_wait3A_36 = arith.constant 0 : i32
        %dma_wait3A_37 = tpu.memref_slice %arg5[%add3A, %add3A_19, %dma_wait3A_35, %dma_wait3A_36] : memref<32x25x5x80xi32, #tpu.memory_space<hbm>> -> memref<1x1x5x80xi32, #tpu.memory_space<hbm>>
        %dma_wait3A_38 = tpu.memref_squeeze %dma_wait3A_37 : memref<1x1x5x80xi32, #tpu.memory_space<hbm>> -> memref<5x80xi32, #tpu.memory_space<hbm>>
        tpu.wait_dma2 semaphore(%run_scoped3A : memref<!tpu.dma_semaphore, #tpu.memory_space<semaphore_mem>>) src(%dma_wait3A_38 : memref<5x80xi32, #tpu.memory_space<hbm>>) dst(%arg12 : memref<5x80xi32, #tpu.memory_space<vmem>>)
        tpu.yield
      }) : () -> ()
      %scan3A_20 = arith.constant 0 : i32
      %scan3A_21 = arith.constant 5 : i32
      %scan3A_22 = arith.addi %scan3A_20, %scan3A_21 : i32
      %scan3A_23 = arith.constant 1 : i32
      scf.for %scan3A_25 = %scan3A_20 to %scan3A_22 step %scan3A_23  : i32 {
        %mul3A_26 = arith.constant 1 : i32
        %mul3A_27 = arith.muli %scan3A_25, %mul3A_26 : i32
        %add3A_28 = arith.constant 0 : i32
        %add3A_29 = arith.addi %add3A_28, %mul3A_27 : i32
        %mul3A_30 = arith.constant 5 : i32
        %mul3A_31 = arith.muli %add3A_19, %mul3A_30 : i32
        %add3A_32 = arith.addi %mul3A_31, %add3A_29 : i32
        %mul3A_33 = arith.constant 80 : i32
        %mul3A_34 = arith.muli %add3A_32, %mul3A_33 : i32
        %add3A_35 = arith.addi %mul3A_2, %mul3A_34 : i32
        %dma_start3A = arith.constant 0 : i32
        %dma_start3A_36 = tpu.memref_slice %arg11[%add3A_29, %dma_start3A] : memref<5x80xi32, #tpu.memory_space<vmem>> -> memref<1x80xi32, #tpu.memory_space<vmem>>
        %dma_start3A_37 = tpu.memref_squeeze %dma_start3A_36 : memref<1x80xi32, #tpu.memory_space<vmem>> -> memref<80xi32, #tpu.memory_space<vmem>>
        %dma_start3A_38 = arith.constant 0 : i32
        %dma_start3A_39 = arith.constant 0 : i32
        %dma_start3A_40 = tpu.memref_slice %arg2[%dma_start3A_38, %dma_start3A_39] : memref<10000x128xf32, #tpu.memory_space<hbm>> -> memref<10000x128xf32, #tpu.memory_space<hbm>>
        tpu.enqueue_indirect_dma source(%dma_start3A_40 : memref<10000x128xf32, #tpu.memory_space<hbm>>) target(%arg13 : memref<80x128xf32, #tpu.memory_space<vmem>>) offsets(%dma_start3A_37 : memref<80xi32, #tpu.memory_space<vmem>>) semaphore(%arg17 : memref<!tpu.dma_semaphore, #tpu.memory_space<semaphore_mem>>)
        %dma_start3A_41 = arith.constant 0 : i32
        %dma_start3A_42 = tpu.memref_slice %arg12[%add3A_29, %dma_start3A_41] : memref<5x80xi32, #tpu.memory_space<vmem>> -> memref<1x80xi32, #tpu.memory_space<vmem>>
        %dma_start3A_43 = tpu.memref_squeeze %dma_start3A_42 : memref<1x80xi32, #tpu.memory_space<vmem>> -> memref<80xi32, #tpu.memory_space<vmem>>
        %dma_start3A_44 = arith.constant 0 : i32
        %dma_start3A_45 = arith.constant 0 : i32
        %dma_start3A_46 = tpu.memref_slice %arg3[%dma_start3A_44, %dma_start3A_45] : memref<10000x128xf32, #tpu.memory_space<hbm>> -> memref<10000x128xf32, #tpu.memory_space<hbm>>
        tpu.enqueue_indirect_dma source(%dma_start3A_46 : memref<10000x128xf32, #tpu.memory_space<hbm>>) target(%arg14 : memref<80x128xf32, #tpu.memory_space<vmem>>) offsets(%dma_start3A_43 : memref<80xi32, #tpu.memory_space<vmem>>) semaphore(%arg18 : memref<!tpu.dma_semaphore, #tpu.memory_space<semaphore_mem>>)
        %dma_start3A_47 = arith.constant 0 : i32
        %dma_start3A_48 = tpu.memref_slice %arg6[%add3A_35, %dma_start3A_47] : memref<320000x128xf32, #tpu.memory_space<hbm>> -> memref<80x128xf32, #tpu.memory_space<hbm>>
        %dma_start3A_49 = arith.constant 0 : i32
        %dma_start3A_50 = tpu.memref_slice %arg6[%add3A_35, %dma_start3A_49] : memref<320000x128xf32, #tpu.memory_space<hbm>> -> memref<80x128xf32, #tpu.memory_space<hbm>>
        tpu.enqueue_dma source(%dma_start3A_50 : memref<80x128xf32, #tpu.memory_space<hbm>>) target(%arg15 : memref<80x128xf32, #tpu.memory_space<vmem>>) target_semaphore(%arg19 : memref<!tpu.dma_semaphore, #tpu.memory_space<semaphore_mem>>)
        %dma_wait3A = arith.constant 0 : i32
        %dma_wait3A_51 = tpu.memref_slice %arg11[%add3A_29, %dma_wait3A] : memref<5x80xi32, #tpu.memory_space<vmem>> -> memref<1x80xi32, #tpu.memory_space<vmem>>
        %dma_wait3A_52 = tpu.memref_squeeze %dma_wait3A_51 : memref<1x80xi32, #tpu.memory_space<vmem>> -> memref<80xi32, #tpu.memory_space<vmem>>
        %dma_wait3A_53 = arith.constant 0 : i32
        %dma_wait3A_54 = arith.constant 0 : i32
        %dma_wait3A_55 = tpu.memref_slice %arg2[%dma_wait3A_53, %dma_wait3A_54] : memref<10000x128xf32, #tpu.memory_space<hbm>> -> memref<10000x128xf32, #tpu.memory_space<hbm>>
        tpu.wait_indirect_dma semaphore(%arg17 : memref<!tpu.dma_semaphore, #tpu.memory_space<semaphore_mem>>) src(%dma_wait3A_55 : memref<10000x128xf32, #tpu.memory_space<hbm>>) dst(%arg13 : memref<80x128xf32, #tpu.memory_space<vmem>>)
        %dma_start3A_56 = arith.constant 0 : i32
        %dma_start3A_57 = tpu.memref_slice %arg8[%add3A_35, %dma_start3A_56] : memref<320000x128xf32, #tpu.memory_space<hbm>> -> memref<80x128xf32, #tpu.memory_space<hbm>>
        %dma_start3A_58 = arith.constant 0 : i32
        %dma_start3A_59 = tpu.memref_slice %arg8[%add3A_35, %dma_start3A_58] : memref<320000x128xf32, #tpu.memory_space<hbm>> -> memref<80x128xf32, #tpu.memory_space<hbm>>
        tpu.enqueue_dma source(%arg13 : memref<80x128xf32, #tpu.memory_space<vmem>>) target(%dma_start3A_59 : memref<80x128xf32, #tpu.memory_space<hbm>>) target_semaphore(%arg20 : memref<!tpu.dma_semaphore, #tpu.memory_space<semaphore_mem>>)
        %dma_wait3A_60 = arith.constant 0 : i32
        %dma_wait3A_61 = tpu.memref_slice %arg12[%add3A_29, %dma_wait3A_60] : memref<5x80xi32, #tpu.memory_space<vmem>> -> memref<1x80xi32, #tpu.memory_space<vmem>>
        %dma_wait3A_62 = tpu.memref_squeeze %dma_wait3A_61 : memref<1x80xi32, #tpu.memory_space<vmem>> -> memref<80xi32, #tpu.memory_space<vmem>>
        %dma_wait3A_63 = arith.constant 0 : i32
        %dma_wait3A_64 = arith.constant 0 : i32
        %dma_wait3A_65 = tpu.memref_slice %arg3[%dma_wait3A_63, %dma_wait3A_64] : memref<10000x128xf32, #tpu.memory_space<hbm>> -> memref<10000x128xf32, #tpu.memory_space<hbm>>
        tpu.wait_indirect_dma semaphore(%arg18 : memref<!tpu.dma_semaphore, #tpu.memory_space<semaphore_mem>>) src(%dma_wait3A_65 : memref<10000x128xf32, #tpu.memory_space<hbm>>) dst(%arg14 : memref<80x128xf32, #tpu.memory_space<vmem>>)
        %dma_start3A_66 = arith.constant 0 : i32
        %dma_start3A_67 = tpu.memref_slice %arg9[%add3A_35, %dma_start3A_66] : memref<320000x128xf32, #tpu.memory_space<hbm>> -> memref<80x128xf32, #tpu.memory_space<hbm>>
        %dma_start3A_68 = arith.constant 0 : i32
        %dma_start3A_69 = tpu.memref_slice %arg9[%add3A_35, %dma_start3A_68] : memref<320000x128xf32, #tpu.memory_space<hbm>> -> memref<80x128xf32, #tpu.memory_space<hbm>>
        tpu.enqueue_dma source(%arg14 : memref<80x128xf32, #tpu.memory_space<vmem>>) target(%dma_start3A_69 : memref<80x128xf32, #tpu.memory_space<hbm>>) target_semaphore(%arg21 : memref<!tpu.dma_semaphore, #tpu.memory_space<semaphore_mem>>)
        %dma_wait3A_70 = arith.constant 0 : i32
        %dma_wait3A_71 = tpu.memref_slice %arg6[%add3A_35, %dma_wait3A_70] : memref<320000x128xf32, #tpu.memory_space<hbm>> -> memref<80x128xf32, #tpu.memory_space<hbm>>
        %dma_wait3A_72 = arith.constant 0 : i32
        %dma_wait3A_73 = tpu.memref_slice %arg6[%add3A_35, %dma_wait3A_72] : memref<320000x128xf32, #tpu.memory_space<hbm>> -> memref<80x128xf32, #tpu.memory_space<hbm>>
        tpu.wait_dma2 semaphore(%arg19 : memref<!tpu.dma_semaphore, #tpu.memory_space<semaphore_mem>>) src(%dma_wait3A_73 : memref<80x128xf32, #tpu.memory_space<hbm>>) dst(%arg15 : memref<80x128xf32, #tpu.memory_space<vmem>>)
        %dma_start3A_74 = arith.constant 0 : i32
        %dma_start3A_75 = tpu.memref_slice %arg12[%add3A_29, %dma_start3A_74] : memref<5x80xi32, #tpu.memory_space<vmem>> -> memref<1x80xi32, #tpu.memory_space<vmem>>
        %dma_start3A_76 = tpu.memref_squeeze %dma_start3A_75 : memref<1x80xi32, #tpu.memory_space<vmem>> -> memref<80xi32, #tpu.memory_space<vmem>>
        %dma_start3A_77 = arith.constant 0 : i32
        %dma_start3A_78 = arith.constant 0 : i32
        %dma_start3A_79 = tpu.memref_slice %arg16[%dma_start3A_77, %dma_start3A_78] : memref<10000x128xf32, #tpu.memory_space<vmem_shared>> -> memref<10000x128xf32, #tpu.memory_space<vmem_shared>>
        tpu.enqueue_indirect_dma source(%arg15 : memref<80x128xf32, #tpu.memory_space<vmem>>) target(%dma_start3A_79 : memref<10000x128xf32, #tpu.memory_space<vmem_shared>>) offsets(%dma_start3A_76 : memref<80xi32, #tpu.memory_space<vmem>>) semaphore(%arg22 : memref<!tpu.dma_semaphore, #tpu.memory_space<semaphore_mem>>) {add = true}
        %dma_wait3A_80 = arith.constant 0 : i32
        %dma_wait3A_81 = tpu.memref_slice %arg8[%add3A_35, %dma_wait3A_80] : memref<320000x128xf32, #tpu.memory_space<hbm>> -> memref<80x128xf32, #tpu.memory_space<hbm>>
        %dma_wait3A_82 = arith.constant 0 : i32
        %dma_wait3A_83 = tpu.memref_slice %arg8[%add3A_35, %dma_wait3A_82] : memref<320000x128xf32, #tpu.memory_space<hbm>> -> memref<80x128xf32, #tpu.memory_space<hbm>>
        tpu.wait_dma2 semaphore(%arg20 : memref<!tpu.dma_semaphore, #tpu.memory_space<semaphore_mem>>) src(%arg13 : memref<80x128xf32, #tpu.memory_space<vmem>>) dst(%dma_wait3A_83 : memref<80x128xf32, #tpu.memory_space<hbm>>)
        %dma_wait3A_84 = arith.constant 0 : i32
        %dma_wait3A_85 = tpu.memref_slice %arg9[%add3A_35, %dma_wait3A_84] : memref<320000x128xf32, #tpu.memory_space<hbm>> -> memref<80x128xf32, #tpu.memory_space<hbm>>
        %dma_wait3A_86 = arith.constant 0 : i32
        %dma_wait3A_87 = tpu.memref_slice %arg9[%add3A_35, %dma_wait3A_86] : memref<320000x128xf32, #tpu.memory_space<hbm>> -> memref<80x128xf32, #tpu.memory_space<hbm>>
        tpu.wait_dma2 semaphore(%arg21 : memref<!tpu.dma_semaphore, #tpu.memory_space<semaphore_mem>>) src(%arg14 : memref<80x128xf32, #tpu.memory_space<vmem>>) dst(%dma_wait3A_87 : memref<80x128xf32, #tpu.memory_space<hbm>>)
        %dma_wait3A_88 = arith.constant 0 : i32
        %dma_wait3A_89 = tpu.memref_slice %arg12[%add3A_29, %dma_wait3A_88] : memref<5x80xi32, #tpu.memory_space<vmem>> -> memref<1x80xi32, #tpu.memory_space<vmem>>
        %dma_wait3A_90 = tpu.memref_squeeze %dma_wait3A_89 : memref<1x80xi32, #tpu.memory_space<vmem>> -> memref<80xi32, #tpu.memory_space<vmem>>
        %dma_wait3A_91 = arith.constant 0 : i32
        %dma_wait3A_92 = arith.constant 0 : i32
        %dma_wait3A_93 = tpu.memref_slice %arg16[%dma_wait3A_91, %dma_wait3A_92] : memref<10000x128xf32, #tpu.memory_space<vmem_shared>> -> memref<10000x128xf32, #tpu.memory_space<vmem_shared>>
        tpu.wait_indirect_dma semaphore(%arg22 : memref<!tpu.dma_semaphore, #tpu.memory_space<semaphore_mem>>) src(%arg15 : memref<80x128xf32, #tpu.memory_space<vmem>>) dst(%dma_wait3A_93 : memref<10000x128xf32, #tpu.memory_space<vmem_shared>>)
      }
      %scan3A_24 = arith.constant 5 : i32
    }
    %scan3A_8 = arith.constant 25 : i32
    %barrier3A_9 = arith.constant 0 : index
    tpu.barrier barrier_id(%barrier3A_9)
    %eq3A_10 = arith.constant 0 : i32
    %eq3A_11 = arith.cmpi eq, %arg1, %eq3A_10 : i32
    %convert_element_type3A_12 = arith.extui %eq3A_11 : i1 to i32
    %cond3A_13 = arith.constant 0 : i32
    %cond3A_14 = arith.cmpi ne, %convert_element_type3A_12, %cond3A_13 : i32
    scf.if %cond3A_14 {
      "tpu.region"() ({
        %run_scoped3A = tpu.sem_alloc : memref<!tpu.dma_semaphore, #tpu.memory_space<semaphore_mem>>
        %dma_start3A = arith.constant 0 : i32
        %dma_start3A_15 = arith.constant 0 : i32
        %dma_start3A_16 = tpu.memref_slice %arg10[%arg0, %dma_start3A, %dma_start3A_15] : memref<2x10000x128xf32, #tpu.memory_space<hbm>> -> memref<1x10000x128xf32, #tpu.memory_space<hbm>>
        %dma_start3A_17 = tpu.memref_squeeze %dma_start3A_16 : memref<1x10000x128xf32, #tpu.memory_space<hbm>> -> memref<10000x128xf32, #tpu.memory_space<hbm>>
        tpu.enqueue_dma source(%arg16 : memref<10000x128xf32, #tpu.memory_space<vmem_shared>>) target(%dma_start3A_17 : memref<10000x128xf32, #tpu.memory_space<hbm>>) target_semaphore(%run_scoped3A : memref<!tpu.dma_semaphore, #tpu.memory_space<semaphore_mem>>)
        %dma_wait3A = arith.constant 0 : i32
        %dma_wait3A_18 = arith.constant 0 : i32
        %dma_wait3A_19 = tpu.memref_slice %arg10[%arg0, %dma_wait3A, %dma_wait3A_18] : memref<2x10000x128xf32, #tpu.memory_space<hbm>> -> memref<1x10000x128xf32, #tpu.memory_space<hbm>>
        %dma_wait3A_20 = tpu.memref_squeeze %dma_wait3A_19 : memref<1x10000x128xf32, #tpu.memory_space<hbm>> -> memref<10000x128xf32, #tpu.memory_space<hbm>>
        tpu.wait_dma2 semaphore(%run_scoped3A : memref<!tpu.dma_semaphore, #tpu.memory_space<semaphore_mem>>) src(%arg16 : memref<10000x128xf32, #tpu.memory_space<vmem_shared>>) dst(%dma_wait3A_20 : memref<10000x128xf32, #tpu.memory_space<hbm>>)
        tpu.yield
      }) : () -> ()
    } else {
    }
    return
  }
}

#map = affine_map<(d0, d1) -> (0, 0)>
#map1 = affine_map<(d0, d1) -> (0, 0, 0, 0)>
#map2 = affine_map<(d0, d1) -> (0, 0, 0)>
module attributes {stable_mosaic.version = 14 : i64} {
  func.func @k(%arg0: i32, %arg1: i32, %arg2: memref<320000x128xf32, #tpu.memory_space<hbm>>, %arg3: memref<32x25x5x80xi32, #tpu.memory_space<hbm>>, %arg4: memref<10000x128xf32, #tpu.memory_space<hbm>>, %arg5: memref<2x10000x128xf32, #tpu.memory_space<hbm>>, %arg6: memref<5x80xi32, #tpu.memory_space<vmem>>, %arg7: memref<80x128xf32, #tpu.memory_space<vmem>>, %arg8: memref<10000x128xf32, #tpu.memory_space<vmem_shared>>) attributes {dimension_semantics = [#tpu.dimension_semantics<core_parallel>, #tpu.dimension_semantics<subcore_parallel>], iteration_bounds = array<i64: 2, 16>, scalar_prefetch = 0 : i64, scratch_operands = 3 : i64, tpu.core_type = #tpu.core_type<sc_vector_subcore>, window_params = [{transform_indices = #map}, {transform_indices = #map1}, {transform_indices = #map}, {transform_indices = #map2}]} {
    %mul3A = arith.constant 2 : i32
    %mul3A_0 = arith.muli %arg1, %mul3A : i32
    %add3A = arith.addi %mul3A_0, %arg0 : i32
    %mul3A_1 = arith.constant 10000 : i32
    %mul3A_2 = arith.muli %add3A, %mul3A_1 : i32
    %eq3A = arith.constant 0 : i32
    %eq3A_3 = arith.cmpi eq, %arg1, %eq3A : i32
    %convert_element_type3A = arith.extui %eq3A_3 : i1 to i32
    %cond3A = arith.constant 0 : i32
    %cond3A_4 = arith.cmpi ne, %convert_element_type3A, %cond3A : i32
    scf.if %cond3A_4 {
      "tpu.region"() ({
        %run_scoped3A = tpu.sem_alloc : memref<!tpu.dma_semaphore, #tpu.memory_space<semaphore_mem>>
        tpu.enqueue_dma source(%arg4 : memref<10000x128xf32, #tpu.memory_space<hbm>>) target(%arg8 : memref<10000x128xf32, #tpu.memory_space<vmem_shared>>) target_semaphore(%run_scoped3A : memref<!tpu.dma_semaphore, #tpu.memory_space<semaphore_mem>>)
        tpu.wait_dma2 semaphore(%run_scoped3A : memref<!tpu.dma_semaphore, #tpu.memory_space<semaphore_mem>>) src(%arg4 : memref<10000x128xf32, #tpu.memory_space<hbm>>) dst(%arg8 : memref<10000x128xf32, #tpu.memory_space<vmem_shared>>)
        tpu.yield
      }) : () -> ()
    } else {
    }
    %barrier3A = arith.constant 0 : index
    tpu.barrier barrier_id(%barrier3A)
    %scan3A = arith.constant 0 : i32
    %scan3A_5 = arith.constant 25 : i32
    %scan3A_6 = arith.addi %scan3A, %scan3A_5 : i32
    %scan3A_7 = arith.constant 1 : i32
    scf.for %scan3A_15 = %scan3A to %scan3A_6 step %scan3A_7  : i32 {
      %mul3A_16 = arith.constant 1 : i32
      %mul3A_17 = arith.muli %scan3A_15, %mul3A_16 : i32
      %add3A_18 = arith.constant 0 : i32
      %add3A_19 = arith.addi %add3A_18, %mul3A_17 : i32
      "tpu.region"() ({
        %run_scoped3A = tpu.sem_alloc : memref<!tpu.dma_semaphore, #tpu.memory_space<semaphore_mem>>
        %dma_start3A = arith.constant 0 : i32
        %dma_start3A_25 = arith.constant 0 : i32
        %dma_start3A_26 = tpu.memref_slice %arg3[%add3A, %add3A_19, %dma_start3A, %dma_start3A_25] : memref<32x25x5x80xi32, #tpu.memory_space<hbm>> -> memref<1x1x5x80xi32, #tpu.memory_space<hbm>>
        %dma_start3A_27 = tpu.memref_squeeze %dma_start3A_26 : memref<1x1x5x80xi32, #tpu.memory_space<hbm>> -> memref<5x80xi32, #tpu.memory_space<hbm>>
        %dma_start3A_28 = arith.constant 0 : i32
        %dma_start3A_29 = arith.constant 0 : i32
        %dma_start3A_30 = tpu.memref_slice %arg3[%add3A, %add3A_19, %dma_start3A_28, %dma_start3A_29] : memref<32x25x5x80xi32, #tpu.memory_space<hbm>> -> memref<1x1x5x80xi32, #tpu.memory_space<hbm>>
        %dma_start3A_31 = tpu.memref_squeeze %dma_start3A_30 : memref<1x1x5x80xi32, #tpu.memory_space<hbm>> -> memref<5x80xi32, #tpu.memory_space<hbm>>
        tpu.enqueue_dma source(%dma_start3A_31 : memref<5x80xi32, #tpu.memory_space<hbm>>) target(%arg6 : memref<5x80xi32, #tpu.memory_space<vmem>>) target_semaphore(%run_scoped3A : memref<!tpu.dma_semaphore, #tpu.memory_space<semaphore_mem>>)
        %dma_wait3A = arith.constant 0 : i32
        %dma_wait3A_32 = arith.constant 0 : i32
        %dma_wait3A_33 = tpu.memref_slice %arg3[%add3A, %add3A_19, %dma_wait3A, %dma_wait3A_32] : memref<32x25x5x80xi32, #tpu.memory_space<hbm>> -> memref<1x1x5x80xi32, #tpu.memory_space<hbm>>
        %dma_wait3A_34 = tpu.memref_squeeze %dma_wait3A_33 : memref<1x1x5x80xi32, #tpu.memory_space<hbm>> -> memref<5x80xi32, #tpu.memory_space<hbm>>
        %dma_wait3A_35 = arith.constant 0 : i32
        %dma_wait3A_36 = arith.constant 0 : i32
        %dma_wait3A_37 = tpu.memref_slice %arg3[%add3A, %add3A_19, %dma_wait3A_35, %dma_wait3A_36] : memref<32x25x5x80xi32, #tpu.memory_space<hbm>> -> memref<1x1x5x80xi32, #tpu.memory_space<hbm>>
        %dma_wait3A_38 = tpu.memref_squeeze %dma_wait3A_37 : memref<1x1x5x80xi32, #tpu.memory_space<hbm>> -> memref<5x80xi32, #tpu.memory_space<hbm>>
        tpu.wait_dma2 semaphore(%run_scoped3A : memref<!tpu.dma_semaphore, #tpu.memory_space<semaphore_mem>>) src(%dma_wait3A_38 : memref<5x80xi32, #tpu.memory_space<hbm>>) dst(%arg6 : memref<5x80xi32, #tpu.memory_space<vmem>>)
        tpu.yield
      }) : () -> ()
      %scan3A_20 = arith.constant 0 : i32
      %scan3A_21 = arith.constant 5 : i32
      %scan3A_22 = arith.addi %scan3A_20, %scan3A_21 : i32
      %scan3A_23 = arith.constant 1 : i32
      scf.for %scan3A_25 = %scan3A_20 to %scan3A_22 step %scan3A_23  : i32 {
        %mul3A_26 = arith.constant 1 : i32
        %mul3A_27 = arith.muli %scan3A_25, %mul3A_26 : i32
        %add3A_28 = arith.constant 0 : i32
        %add3A_29 = arith.addi %add3A_28, %mul3A_27 : i32
        %mul3A_30 = arith.constant 5 : i32
        %mul3A_31 = arith.muli %add3A_19, %mul3A_30 : i32
        %add3A_32 = arith.addi %mul3A_31, %add3A_29 : i32
        %mul3A_33 = arith.constant 80 : i32
        %mul3A_34 = arith.muli %add3A_32, %mul3A_33 : i32
        %add3A_35 = arith.addi %mul3A_2, %mul3A_34 : i32
        "tpu.region"() ({
          %run_scoped3A = tpu.sem_alloc : memref<!tpu.dma_semaphore, #tpu.memory_space<semaphore_mem>>
          %dma_start3A = arith.constant 0 : i32
          %dma_start3A_36 = tpu.memref_slice %arg2[%add3A_35, %dma_start3A] : memref<320000x128xf32, #tpu.memory_space<hbm>> -> memref<80x128xf32, #tpu.memory_space<hbm>>
          %dma_start3A_37 = arith.constant 0 : i32
          %dma_start3A_38 = tpu.memref_slice %arg2[%add3A_35, %dma_start3A_37] : memref<320000x128xf32, #tpu.memory_space<hbm>> -> memref<80x128xf32, #tpu.memory_space<hbm>>
          tpu.enqueue_dma source(%dma_start3A_38 : memref<80x128xf32, #tpu.memory_space<hbm>>) target(%arg7 : memref<80x128xf32, #tpu.memory_space<vmem>>) target_semaphore(%run_scoped3A : memref<!tpu.dma_semaphore, #tpu.memory_space<semaphore_mem>>)
          %dma_wait3A = arith.constant 0 : i32
          %dma_wait3A_39 = tpu.memref_slice %arg2[%add3A_35, %dma_wait3A] : memref<320000x128xf32, #tpu.memory_space<hbm>> -> memref<80x128xf32, #tpu.memory_space<hbm>>
          %dma_wait3A_40 = arith.constant 0 : i32
          %dma_wait3A_41 = tpu.memref_slice %arg2[%add3A_35, %dma_wait3A_40] : memref<320000x128xf32, #tpu.memory_space<hbm>> -> memref<80x128xf32, #tpu.memory_space<hbm>>
          tpu.wait_dma2 semaphore(%run_scoped3A : memref<!tpu.dma_semaphore, #tpu.memory_space<semaphore_mem>>) src(%dma_wait3A_41 : memref<80x128xf32, #tpu.memory_space<hbm>>) dst(%arg7 : memref<80x128xf32, #tpu.memory_space<vmem>>)
          tpu.yield
        }) : () -> ()
        "tpu.region"() ({
          %run_scoped3A = tpu.sem_alloc : memref<!tpu.dma_semaphore, #tpu.memory_space<semaphore_mem>>
          %dma_start3A = arith.constant 0 : i32
          %dma_start3A_36 = tpu.memref_slice %arg6[%add3A_29, %dma_start3A] : memref<5x80xi32, #tpu.memory_space<vmem>> -> memref<1x80xi32, #tpu.memory_space<vmem>>
          %dma_start3A_37 = tpu.memref_squeeze %dma_start3A_36 : memref<1x80xi32, #tpu.memory_space<vmem>> -> memref<80xi32, #tpu.memory_space<vmem>>
          %dma_start3A_38 = arith.constant 0 : i32
          %dma_start3A_39 = arith.constant 0 : i32
          %dma_start3A_40 = tpu.memref_slice %arg8[%dma_start3A_38, %dma_start3A_39] : memref<10000x128xf32, #tpu.memory_space<vmem_shared>> -> memref<10000x128xf32, #tpu.memory_space<vmem_shared>>
          tpu.enqueue_indirect_dma source(%arg7 : memref<80x128xf32, #tpu.memory_space<vmem>>) target(%dma_start3A_40 : memref<10000x128xf32, #tpu.memory_space<vmem_shared>>) offsets(%dma_start3A_37 : memref<80xi32, #tpu.memory_space<vmem>>) semaphore(%run_scoped3A : memref<!tpu.dma_semaphore, #tpu.memory_space<semaphore_mem>>) {add = true}
          %dma_wait3A = arith.constant 0 : i32
          %dma_wait3A_41 = tpu.memref_slice %arg6[%add3A_29, %dma_wait3A] : memref<5x80xi32, #tpu.memory_space<vmem>> -> memref<1x80xi32, #tpu.memory_space<vmem>>
          %dma_wait3A_42 = tpu.memref_squeeze %dma_wait3A_41 : memref<1x80xi32, #tpu.memory_space<vmem>> -> memref<80xi32, #tpu.memory_space<vmem>>
          %dma_wait3A_43 = arith.constant 0 : i32
          %dma_wait3A_44 = arith.constant 0 : i32
          %dma_wait3A_45 = tpu.memref_slice %arg8[%dma_wait3A_43, %dma_wait3A_44] : memref<10000x128xf32, #tpu.memory_space<vmem_shared>> -> memref<10000x128xf32, #tpu.memory_space<vmem_shared>>
          tpu.wait_indirect_dma semaphore(%run_scoped3A : memref<!tpu.dma_semaphore, #tpu.memory_space<semaphore_mem>>) src(%arg7 : memref<80x128xf32, #tpu.memory_space<vmem>>) dst(%dma_wait3A_45 : memref<10000x128xf32, #tpu.memory_space<vmem_shared>>)
          tpu.yield
        }) : () -> ()
      }
      %scan3A_24 = arith.constant 5 : i32
    }
    %scan3A_8 = arith.constant 25 : i32
    %barrier3A_9 = arith.constant 0 : index
    tpu.barrier barrier_id(%barrier3A_9)
    %eq3A_10 = arith.constant 0 : i32
    %eq3A_11 = arith.cmpi eq, %arg1, %eq3A_10 : i32
    %convert_element_type3A_12 = arith.extui %eq3A_11 : i1 to i32
    %cond3A_13 = arith.constant 0 : i32
    %cond3A_14 = arith.cmpi ne, %convert_element_type3A_12, %cond3A_13 : i32
    scf.if %cond3A_14 {
      "tpu.region"() ({
        %run_scoped3A = tpu.sem_alloc : memref<!tpu.dma_semaphore, #tpu.memory_space<semaphore_mem>>
        %dma_start3A = arith.constant 0 : i32
        %dma_start3A_15 = arith.constant 0 : i32
        %dma_start3A_16 = tpu.memref_slice %arg5[%arg0, %dma_start3A, %dma_start3A_15] : memref<2x10000x128xf32, #tpu.memory_space<hbm>> -> memref<1x10000x128xf32, #tpu.memory_space<hbm>>
        %dma_start3A_17 = tpu.memref_squeeze %dma_start3A_16 : memref<1x10000x128xf32, #tpu.memory_space<hbm>> -> memref<10000x128xf32, #tpu.memory_space<hbm>>
        tpu.enqueue_dma source(%arg8 : memref<10000x128xf32, #tpu.memory_space<vmem_shared>>) target(%dma_start3A_17 : memref<10000x128xf32, #tpu.memory_space<hbm>>) target_semaphore(%run_scoped3A : memref<!tpu.dma_semaphore, #tpu.memory_space<semaphore_mem>>)
        %dma_wait3A = arith.constant 0 : i32
        %dma_wait3A_18 = arith.constant 0 : i32
        %dma_wait3A_19 = tpu.memref_slice %arg5[%arg0, %dma_wait3A, %dma_wait3A_18] : memref<2x10000x128xf32, #tpu.memory_space<hbm>> -> memref<1x10000x128xf32, #tpu.memory_space<hbm>>
        %dma_wait3A_20 = tpu.memref_squeeze %dma_wait3A_19 : memref<1x10000x128xf32, #tpu.memory_space<hbm>> -> memref<10000x128xf32, #tpu.memory_space<hbm>>
        tpu.wait_dma2 semaphore(%run_scoped3A : memref<!tpu.dma_semaphore, #tpu.memory_space<semaphore_mem>>) src(%arg8 : memref<10000x128xf32, #tpu.memory_space<vmem_shared>>) dst(%dma_wait3A_20 : memref<10000x128xf32, #tpu.memory_space<hbm>>)
        tpu.yield
      }) : () -> ()
    } else {
    }
    return
  }
}

#map = affine_map<(d0, d1) -> (0, 0)>
#map1 = affine_map<(d0, d1) -> (0, 0, 0, 0)>
#map2 = affine_map<(d0, d1) -> (0, 0, 0)>
module attributes {stable_mosaic.version = 14 : i64} {
  func.func @k(%arg0: i32, %arg1: i32, %arg2: memref<320000x128xf32, #tpu.memory_space<hbm>>, %arg3: memref<32x25x5x80xi32, #tpu.memory_space<hbm>>, %arg4: memref<10000x128xf32, #tpu.memory_space<hbm>>, %arg5: memref<2x10000x128xf32, #tpu.memory_space<hbm>>, %arg6: memref<5x80xi32, #tpu.memory_space<vmem>>, %arg7: memref<80x128xf32, #tpu.memory_space<vmem>>, %arg8: memref<10000x128xf32, #tpu.memory_space<vmem_shared>>) attributes {dimension_semantics = [#tpu.dimension_semantics<core_parallel>, #tpu.dimension_semantics<subcore_parallel>], iteration_bounds = array<i64: 2, 16>, scalar_prefetch = 0 : i64, scratch_operands = 3 : i64, tpu.core_type = #tpu.core_type<sc_vector_subcore>, window_params = [{transform_indices = #map}, {transform_indices = #map1}, {transform_indices = #map}, {transform_indices = #map2}]} {
    %mul3A = arith.constant 2 : i32
    %mul3A_0 = arith.muli %arg1, %mul3A : i32
    %add3A = arith.addi %mul3A_0, %arg0 : i32
    %mul3A_1 = arith.constant 10000 : i32
    %mul3A_2 = arith.muli %add3A, %mul3A_1 : i32
    %eq3A = arith.constant 0 : i32
    %eq3A_3 = arith.cmpi eq, %arg1, %eq3A : i32
    %convert_element_type3A = arith.extui %eq3A_3 : i1 to i32
    %cond3A = arith.constant 0 : i32
    %cond3A_4 = arith.cmpi ne, %convert_element_type3A, %cond3A : i32
    scf.if %cond3A_4 {
      "tpu.region"() ({
        %run_scoped3A = tpu.sem_alloc : memref<!tpu.dma_semaphore, #tpu.memory_space<semaphore_mem>>
        tpu.enqueue_dma source(%arg4 : memref<10000x128xf32, #tpu.memory_space<hbm>>) target(%arg8 : memref<10000x128xf32, #tpu.memory_space<vmem_shared>>) target_semaphore(%run_scoped3A : memref<!tpu.dma_semaphore, #tpu.memory_space<semaphore_mem>>)
        tpu.wait_dma2 semaphore(%run_scoped3A : memref<!tpu.dma_semaphore, #tpu.memory_space<semaphore_mem>>) src(%arg4 : memref<10000x128xf32, #tpu.memory_space<hbm>>) dst(%arg8 : memref<10000x128xf32, #tpu.memory_space<vmem_shared>>)
        tpu.yield
      }) : () -> ()
    } else {
    }
    %barrier3A = arith.constant 0 : index
    tpu.barrier barrier_id(%barrier3A)
    %scan3A = arith.constant 0 : i32
    %scan3A_5 = arith.constant 25 : i32
    %scan3A_6 = arith.addi %scan3A, %scan3A_5 : i32
    %scan3A_7 = arith.constant 1 : i32
    scf.for %scan3A_15 = %scan3A to %scan3A_6 step %scan3A_7  : i32 {
      %mul3A_16 = arith.constant 1 : i32
      %mul3A_17 = arith.muli %scan3A_15, %mul3A_16 : i32
      %add3A_18 = arith.constant 0 : i32
      %add3A_19 = arith.addi %add3A_18, %mul3A_17 : i32
      "tpu.region"() ({
        %run_scoped3A = tpu.sem_alloc : memref<!tpu.dma_semaphore, #tpu.memory_space<semaphore_mem>>
        %dma_start3A = arith.constant 0 : i32
        %dma_start3A_25 = arith.constant 0 : i32
        %dma_start3A_26 = tpu.memref_slice %arg3[%add3A, %add3A_19, %dma_start3A, %dma_start3A_25] : memref<32x25x5x80xi32, #tpu.memory_space<hbm>> -> memref<1x1x5x80xi32, #tpu.memory_space<hbm>>
        %dma_start3A_27 = tpu.memref_squeeze %dma_start3A_26 : memref<1x1x5x80xi32, #tpu.memory_space<hbm>> -> memref<5x80xi32, #tpu.memory_space<hbm>>
        %dma_start3A_28 = arith.constant 0 : i32
        %dma_start3A_29 = arith.constant 0 : i32
        %dma_start3A_30 = tpu.memref_slice %arg3[%add3A, %add3A_19, %dma_start3A_28, %dma_start3A_29] : memref<32x25x5x80xi32, #tpu.memory_space<hbm>> -> memref<1x1x5x80xi32, #tpu.memory_space<hbm>>
        %dma_start3A_31 = tpu.memref_squeeze %dma_start3A_30 : memref<1x1x5x80xi32, #tpu.memory_space<hbm>> -> memref<5x80xi32, #tpu.memory_space<hbm>>
        tpu.enqueue_dma source(%dma_start3A_31 : memref<5x80xi32, #tpu.memory_space<hbm>>) target(%arg6 : memref<5x80xi32, #tpu.memory_space<vmem>>) target_semaphore(%run_scoped3A : memref<!tpu.dma_semaphore, #tpu.memory_space<semaphore_mem>>)
        %dma_wait3A = arith.constant 0 : i32
        %dma_wait3A_32 = arith.constant 0 : i32
        %dma_wait3A_33 = tpu.memref_slice %arg3[%add3A, %add3A_19, %dma_wait3A, %dma_wait3A_32] : memref<32x25x5x80xi32, #tpu.memory_space<hbm>> -> memref<1x1x5x80xi32, #tpu.memory_space<hbm>>
        %dma_wait3A_34 = tpu.memref_squeeze %dma_wait3A_33 : memref<1x1x5x80xi32, #tpu.memory_space<hbm>> -> memref<5x80xi32, #tpu.memory_space<hbm>>
        %dma_wait3A_35 = arith.constant 0 : i32
        %dma_wait3A_36 = arith.constant 0 : i32
        %dma_wait3A_37 = tpu.memref_slice %arg3[%add3A, %add3A_19, %dma_wait3A_35, %dma_wait3A_36] : memref<32x25x5x80xi32, #tpu.memory_space<hbm>> -> memref<1x1x5x80xi32, #tpu.memory_space<hbm>>
        %dma_wait3A_38 = tpu.memref_squeeze %dma_wait3A_37 : memref<1x1x5x80xi32, #tpu.memory_space<hbm>> -> memref<5x80xi32, #tpu.memory_space<hbm>>
        tpu.wait_dma2 semaphore(%run_scoped3A : memref<!tpu.dma_semaphore, #tpu.memory_space<semaphore_mem>>) src(%dma_wait3A_38 : memref<5x80xi32, #tpu.memory_space<hbm>>) dst(%arg6 : memref<5x80xi32, #tpu.memory_space<vmem>>)
        tpu.yield
      }) : () -> ()
      %scan3A_20 = arith.constant 0 : i32
      %scan3A_21 = arith.constant 5 : i32
      %scan3A_22 = arith.addi %scan3A_20, %scan3A_21 : i32
      %scan3A_23 = arith.constant 1 : i32
      scf.for %scan3A_25 = %scan3A_20 to %scan3A_22 step %scan3A_23  : i32 {
        %mul3A_26 = arith.constant 1 : i32
        %mul3A_27 = arith.muli %scan3A_25, %mul3A_26 : i32
        %add3A_28 = arith.constant 0 : i32
        %add3A_29 = arith.addi %add3A_28, %mul3A_27 : i32
        %mul3A_30 = arith.constant 5 : i32
        %mul3A_31 = arith.muli %add3A_19, %mul3A_30 : i32
        %add3A_32 = arith.addi %mul3A_31, %add3A_29 : i32
        %mul3A_33 = arith.constant 80 : i32
        %mul3A_34 = arith.muli %add3A_32, %mul3A_33 : i32
        %add3A_35 = arith.addi %mul3A_2, %mul3A_34 : i32
        "tpu.region"() ({
          %run_scoped3A = tpu.sem_alloc : memref<!tpu.dma_semaphore, #tpu.memory_space<semaphore_mem>>
          %dma_start3A = arith.constant 0 : i32
          %dma_start3A_36 = tpu.memref_slice %arg2[%add3A_35, %dma_start3A] : memref<320000x128xf32, #tpu.memory_space<hbm>> -> memref<80x128xf32, #tpu.memory_space<hbm>>
          %dma_start3A_37 = arith.constant 0 : i32
          %dma_start3A_38 = tpu.memref_slice %arg2[%add3A_35, %dma_start3A_37] : memref<320000x128xf32, #tpu.memory_space<hbm>> -> memref<80x128xf32, #tpu.memory_space<hbm>>
          tpu.enqueue_dma source(%dma_start3A_38 : memref<80x128xf32, #tpu.memory_space<hbm>>) target(%arg7 : memref<80x128xf32, #tpu.memory_space<vmem>>) target_semaphore(%run_scoped3A : memref<!tpu.dma_semaphore, #tpu.memory_space<semaphore_mem>>)
          %dma_wait3A = arith.constant 0 : i32
          %dma_wait3A_39 = tpu.memref_slice %arg2[%add3A_35, %dma_wait3A] : memref<320000x128xf32, #tpu.memory_space<hbm>> -> memref<80x128xf32, #tpu.memory_space<hbm>>
          %dma_wait3A_40 = arith.constant 0 : i32
          %dma_wait3A_41 = tpu.memref_slice %arg2[%add3A_35, %dma_wait3A_40] : memref<320000x128xf32, #tpu.memory_space<hbm>> -> memref<80x128xf32, #tpu.memory_space<hbm>>
          tpu.wait_dma2 semaphore(%run_scoped3A : memref<!tpu.dma_semaphore, #tpu.memory_space<semaphore_mem>>) src(%dma_wait3A_41 : memref<80x128xf32, #tpu.memory_space<hbm>>) dst(%arg7 : memref<80x128xf32, #tpu.memory_space<vmem>>)
          tpu.yield
        }) : () -> ()
        "tpu.region"() ({
          %run_scoped3A = tpu.sem_alloc : memref<!tpu.dma_semaphore, #tpu.memory_space<semaphore_mem>>
          %dma_start3A = arith.constant 0 : i32
          %dma_start3A_36 = tpu.memref_slice %arg6[%add3A_29, %dma_start3A] : memref<5x80xi32, #tpu.memory_space<vmem>> -> memref<1x80xi32, #tpu.memory_space<vmem>>
          %dma_start3A_37 = tpu.memref_squeeze %dma_start3A_36 : memref<1x80xi32, #tpu.memory_space<vmem>> -> memref<80xi32, #tpu.memory_space<vmem>>
          %dma_start3A_38 = arith.constant 0 : i32
          %dma_start3A_39 = arith.constant 0 : i32
          %dma_start3A_40 = tpu.memref_slice %arg8[%dma_start3A_38, %dma_start3A_39] : memref<10000x128xf32, #tpu.memory_space<vmem_shared>> -> memref<10000x128xf32, #tpu.memory_space<vmem_shared>>
          tpu.enqueue_indirect_dma source(%arg7 : memref<80x128xf32, #tpu.memory_space<vmem>>) target(%dma_start3A_40 : memref<10000x128xf32, #tpu.memory_space<vmem_shared>>) offsets(%dma_start3A_37 : memref<80xi32, #tpu.memory_space<vmem>>) semaphore(%run_scoped3A : memref<!tpu.dma_semaphore, #tpu.memory_space<semaphore_mem>>) {add = true}
          %dma_wait3A = arith.constant 0 : i32
          %dma_wait3A_41 = tpu.memref_slice %arg6[%add3A_29, %dma_wait3A] : memref<5x80xi32, #tpu.memory_space<vmem>> -> memref<1x80xi32, #tpu.memory_space<vmem>>
          %dma_wait3A_42 = tpu.memref_squeeze %dma_wait3A_41 : memref<1x80xi32, #tpu.memory_space<vmem>> -> memref<80xi32, #tpu.memory_space<vmem>>
          %dma_wait3A_43 = arith.constant 0 : i32
          %dma_wait3A_44 = arith.constant 0 : i32
          %dma_wait3A_45 = tpu.memref_slice %arg8[%dma_wait3A_43, %dma_wait3A_44] : memref<10000x128xf32, #tpu.memory_space<vmem_shared>> -> memref<10000x128xf32, #tpu.memory_space<vmem_shared>>
          tpu.wait_indirect_dma semaphore(%run_scoped3A : memref<!tpu.dma_semaphore, #tpu.memory_space<semaphore_mem>>) src(%arg7 : memref<80x128xf32, #tpu.memory_space<vmem>>) dst(%dma_wait3A_45 : memref<10000x128xf32, #tpu.memory_space<vmem_shared>>)
          tpu.yield
        }) : () -> ()
      }
      %scan3A_24 = arith.constant 5 : i32
    }
    %scan3A_8 = arith.constant 25 : i32
    %barrier3A_9 = arith.constant 0 : index
    tpu.barrier barrier_id(%barrier3A_9)
    %eq3A_10 = arith.constant 0 : i32
    %eq3A_11 = arith.cmpi eq, %arg1, %eq3A_10 : i32
    %convert_element_type3A_12 = arith.extui %eq3A_11 : i1 to i32
    %cond3A_13 = arith.constant 0 : i32
    %cond3A_14 = arith.cmpi ne, %convert_element_type3A_12, %cond3A_13 : i32
    scf.if %cond3A_14 {
      "tpu.region"() ({
        %run_scoped3A = tpu.sem_alloc : memref<!tpu.dma_semaphore, #tpu.memory_space<semaphore_mem>>
        %dma_start3A = arith.constant 0 : i32
        %dma_start3A_15 = arith.constant 0 : i32
        %dma_start3A_16 = tpu.memref_slice %arg5[%arg0, %dma_start3A, %dma_start3A_15] : memref<2x10000x128xf32, #tpu.memory_space<hbm>> -> memref<1x10000x128xf32, #tpu.memory_space<hbm>>
        %dma_start3A_17 = tpu.memref_squeeze %dma_start3A_16 : memref<1x10000x128xf32, #tpu.memory_space<hbm>> -> memref<10000x128xf32, #tpu.memory_space<hbm>>
        tpu.enqueue_dma source(%arg8 : memref<10000x128xf32, #tpu.memory_space<vmem_shared>>) target(%dma_start3A_17 : memref<10000x128xf32, #tpu.memory_space<hbm>>) target_semaphore(%run_scoped3A : memref<!tpu.dma_semaphore, #tpu.memory_space<semaphore_mem>>)
        %dma_wait3A = arith.constant 0 : i32
        %dma_wait3A_18 = arith.constant 0 : i32
        %dma_wait3A_19 = tpu.memref_slice %arg5[%arg0, %dma_wait3A, %dma_wait3A_18] : memref<2x10000x128xf32, #tpu.memory_space<hbm>> -> memref<1x10000x128xf32, #tpu.memory_space<hbm>>
        %dma_wait3A_20 = tpu.memref_squeeze %dma_wait3A_19 : memref<1x10000x128xf32, #tpu.memory_space<hbm>> -> memref<10000x128xf32, #tpu.memory_space<hbm>>
        tpu.wait_dma2 semaphore(%run_scoped3A : memref<!tpu.dma_semaphore, #tpu.memory_space<semaphore_mem>>) src(%arg8 : memref<10000x128xf32, #tpu.memory_space<vmem_shared>>) dst(%dma_wait3A_20 : memref<10000x128xf32, #tpu.memory_space<hbm>>)
        tpu.yield
      }) : () -> ()
    } else {
    }
    return
  }
}

module attributes {stable_mosaic.version = 14 : i64} {
  func.func @_proj_body(%arg0: i32, %arg1: memref<2000x128xf32, #tpu.memory_space<vmem>>, %arg2: memref<128x128xf32, #tpu.memory_space<vmem>>, %arg3: memref<128x128xf32, #tpu.memory_space<vmem>>, %arg4: memref<2000x128xf32, #tpu.memory_space<vmem>>, %arg5: memref<2000x128xf32, #tpu.memory_space<vmem>>) attributes {dimension_semantics = [#tpu.dimension_semantics<arbitrary>], iteration_bounds = array<i64: 5>, scalar_prefetch = 0 : i64, scratch_operands = 0 : i64, tpu.core_type = #tpu.core_type<tc>, window_params = [{transform_indices = @transform_0, window_bounds = array<i64: 2000, 128>}, {pipeline_mode = #tpu.pipeline_mode<synchronous>, transform_indices = @transform_1, window_bounds = array<i64: 128, 128>}, {pipeline_mode = #tpu.pipeline_mode<synchronous>, transform_indices = @transform_2, window_bounds = array<i64: 128, 128>}, {transform_indices = @transform_3, window_bounds = array<i64: 2000, 128>}, {transform_indices = @transform_4, window_bounds = array<i64: 2000, 128>}]} {
    %get3A = arith.constant 0 : index
    %get3A_0 = arith.constant 0 : index
    %get3A_1 = vector.load %arg1[%get3A, %get3A_0] : memref<2000x128xf32, #tpu.memory_space<vmem>>, vector<2000x128xf32>
    %get3A_2 = arith.constant 0 : index
    %get3A_3 = arith.constant 0 : index
    %get3A_4 = vector.load %arg2[%get3A_2, %get3A_3] : memref<128x128xf32, #tpu.memory_space<vmem>>, vector<128x128xf32>
    %dot_general3A = arith.constant dense<0.000000e+00> : vector<2000x128xf32>
    %dot_general3A_5 = tpu.matmul %get3A_1, %get3A_4, %dot_general3A {dimension_numbers = #tpu.dot_dimension_numbers<[1], [0], [0], [1], [0, 0, 1, 1], [], []>, precision = #tpu.contract_precision<fp32>, transpose_lhs_hint = false} : vector<2000x128xf32>, vector<128x128xf32>, vector<2000x128xf32> -> vector<2000x128xf32>
    %swap3A = arith.constant 0 : index
    %swap3A_6 = arith.constant 0 : index
    %swap3A_7 = vector.load %arg4[%swap3A, %swap3A_6] : memref<2000x128xf32, #tpu.memory_space<vmem>>, vector<2000x128xf32>
    tpu.vector_store %arg4[%swap3A, %swap3A_6], %dot_general3A_5 {strides = array<i32>} : memref<2000x128xf32, #tpu.memory_space<vmem>>, vector<2000x128xf32>,
    %get3A_8 = arith.constant 0 : index
    %get3A_9 = arith.constant 0 : index
    %get3A_10 = vector.load %arg3[%get3A_8, %get3A_9] : memref<128x128xf32, #tpu.memory_space<vmem>>, vector<128x128xf32>
    %dot_general3A_11 = arith.constant dense<0.000000e+00> : vector<2000x128xf32>
    %dot_general3A_12 = tpu.matmul %get3A_1, %get3A_10, %dot_general3A_11 {dimension_numbers = #tpu.dot_dimension_numbers<[1], [0], [0], [1], [0, 0, 1, 1], [], []>, precision = #tpu.contract_precision<fp32>, transpose_lhs_hint = false} : vector<2000x128xf32>, vector<128x128xf32>, vector<2000x128xf32> -> vector<2000x128xf32>
    %swap3A_13 = arith.constant 0 : index
    %swap3A_14 = arith.constant 0 : index
    %swap3A_15 = vector.load %arg5[%swap3A_13, %swap3A_14] : memref<2000x128xf32, #tpu.memory_space<vmem>>, vector<2000x128xf32>
    tpu.vector_store %arg5[%swap3A_13, %swap3A_14], %dot_general3A_12 {strides = array<i32>} : memref<2000x128xf32, #tpu.memory_space<vmem>>, vector<2000x128xf32>,
    return
  }
  func.func @transform_0(%arg0: i32) -> (i32, i32) {
    %c0_i32 = arith.constant 0 : i32
    %c0_i32_0 = arith.constant 0 : i32
    return %arg0, %c0_i32 : i32, i32
  }
  func.func @transform_1(%arg0: i32) -> (i32, i32) {
    %c0_i32 = arith.constant 0 : i32
    %c0_i32_0 = arith.constant 0 : i32
    %c0_i32_1 = arith.constant 0 : i32
    return %c0_i32, %c0_i32_0 : i32, i32
  }
  func.func @transform_2(%arg0: i32) -> (i32, i32) {
    %c0_i32 = arith.constant 0 : i32
    %c0_i32_0 = arith.constant 0 : i32
    %c0_i32_1 = arith.constant 0 : i32
    return %c0_i32, %c0_i32_0 : i32, i32
  }
  func.func @transform_3(%arg0: i32) -> (i32, i32) {
    %c0_i32 = arith.constant 0 : i32
    %c0_i32_0 = arith.constant 0 : i32
    return %arg0, %c0_i32 : i32, i32
  }
  func.func @transform_4(%arg0: i32) -> (i32, i32) {
    %c0_i32 = arith.constant 0 : i32
    %c0_i32_0 = arith.constant 0 : i32
    return %arg0, %c0_i32 : i32, i32
  }
}

module attributes {stable_mosaic.version = 14 : i64} {
  func.func @_attn_body(%arg0: i32, %arg1: memref<2000x128xf32, #tpu.memory_space<vmem>>, %arg2: memref<2000x128xf32, #tpu.memory_space<vmem>>, %arg3: memref<2000x128xf32, #tpu.memory_space<vmem>>, %arg4: memref<128x128xf32, #tpu.memory_space<vmem>>, %arg5: memref<128x4xf32, #tpu.memory_space<vmem>>, %arg6: memref<4x128xf32, #tpu.memory_space<vmem>>, %arg7: memref<4x128xf32, #tpu.memory_space<vmem>>, %arg8: memref<1x128xf32, #tpu.memory_space<vmem>>, %arg9: memref<2000x128xf32, #tpu.memory_space<vmem>>, %arg10: memref<2000x128xf32, #tpu.memory_space<vmem>>) attributes {dimension_semantics = [#tpu.dimension_semantics<arbitrary>], iteration_bounds = array<i64: 160>, scalar_prefetch = 0 : i64, scratch_operands = 0 : i64, tpu.core_type = #tpu.core_type<tc>, window_params = [{transform_indices = @transform_0, window_bounds = array<i64: 2000, 128>}, {transform_indices = @transform_1, window_bounds = array<i64: 2000, 128>}, {transform_indices = @transform_2, window_bounds = array<i64: 2000, 128>}, {pipeline_mode = #tpu.pipeline_mode<synchronous>, transform_indices = @transform_3, window_bounds = array<i64: 128, 128>}, {pipeline_mode = #tpu.pipeline_mode<synchronous>, transform_indices = @transform_4, window_bounds = array<i64: 128, 4>}, {pipeline_mode = #tpu.pipeline_mode<synchronous>, transform_indices = @transform_5, window_bounds = array<i64: 4, 128>}, {pipeline_mode = #tpu.pipeline_mode<synchronous>, transform_indices = @transform_6, window_bounds = array<i64: 4, 128>}, {pipeline_mode = #tpu.pipeline_mode<synchronous>, transform_indices = @transform_7, window_bounds = array<i64: 1, 128>}, {transform_indices = @transform_8, window_bounds = array<i64: 2000, 128>}, {transform_indices = @transform_9, window_bounds = array<i64: 2000, 128>}]} {
    %get3A = arith.constant 0 : index
    %get3A_0 = arith.constant 0 : index
    %get3A_1 = vector.load %arg1[%get3A, %get3A_0] : memref<2000x128xf32, #tpu.memory_space<vmem>>, vector<2000x128xf32>
    %get3A_2 = arith.constant 0 : index
    %get3A_3 = arith.constant 0 : index
    %get3A_4 = vector.load %arg4[%get3A_2, %get3A_3] : memref<128x128xf32, #tpu.memory_space<vmem>>, vector<128x128xf32>
    %dot_general3A = arith.constant dense<0.000000e+00> : vector<2000x128xf32>
    %dot_general3A_5 = tpu.matmul %get3A_1, %get3A_4, %dot_general3A {dimension_numbers = #tpu.dot_dimension_numbers<[1], [0], [0], [1], [0, 0, 1, 1], [], []>, transpose_lhs_hint = false} : vector<2000x128xf32>, vector<128x128xf32>, vector<2000x128xf32> -> vector<2000x128xf32>
    %get3A_6 = arith.constant 0 : index
    %get3A_7 = arith.constant 0 : index
    %get3A_8 = vector.load %arg2[%get3A_6, %get3A_7] : memref<2000x128xf32, #tpu.memory_space<vmem>>, vector<2000x128xf32>
    %get3A_9 = arith.constant 0 : index
    %get3A_10 = arith.constant 0 : index
    %get3A_11 = vector.load %arg3[%get3A_9, %get3A_10] : memref<2000x128xf32, #tpu.memory_space<vmem>>, vector<2000x128xf32>
    %add3A = arith.addf %get3A_8, %get3A_11 : vector<2000x128xf32>
    %add3A_12 = arith.addf %add3A, %dot_general3A_5 : vector<2000x128xf32>
    %mul3A = arith.constant 2.000000e-01 : f32
    %mul3A_13 = vector.broadcast %mul3A : f32 to vector<2000x128xf32>
    %mul3A_14 = arith.mulf %mul3A_13, %add3A_12 : vector<2000x128xf32>
    %max3A = arith.maximumf %add3A_12, %mul3A_14 : vector<2000x128xf32>
    %get3A_15 = arith.constant 0 : index
    %get3A_16 = arith.constant 0 : index
    %get3A_17 = vector.load %arg5[%get3A_15, %get3A_16] : memref<128x4xf32, #tpu.memory_space<vmem>>, vector<128x4xf32>
    %dot_general3A_18 = arith.constant dense<0.000000e+00> : vector<2000x4xf32>
    %dot_general3A_19 = tpu.matmul %max3A, %get3A_17, %dot_general3A_18 {dimension_numbers = #tpu.dot_dimension_numbers<[1], [0], [0], [1], [0, 0, 1, 1], [], []>, transpose_lhs_hint = false} : vector<2000x128xf32>, vector<128x4xf32>, vector<2000x4xf32> -> vector<2000x4xf32>
    %exp3A = math.exp %dot_general3A_19 : vector<2000x4xf32>
    %get3A_20 = arith.constant 0 : index
    %get3A_21 = arith.constant 0 : index
    %get3A_22 = vector.load %arg7[%get3A_20, %get3A_21] : memref<4x128xf32, #tpu.memory_space<vmem>>, vector<4x128xf32>
    %dot_general3A_23 = arith.constant dense<0.000000e+00> : vector<2000x128xf32>
    %dot_general3A_24 = tpu.matmul %exp3A, %get3A_22, %dot_general3A_23 {dimension_numbers = #tpu.dot_dimension_numbers<[1], [0], [0], [1], [0, 0, 1, 1], [], []>, transpose_lhs_hint = false} : vector<2000x4xf32>, vector<4x128xf32>, vector<2000x128xf32> -> vector<2000x128xf32>
    %get3A_25 = arith.constant 0 : index
    %get3A_26 = arith.constant 0 : index
    %get3A_27 = vector.load %arg8[%get3A_25, %get3A_26] : memref<1x128xf32, #tpu.memory_space<vmem>>, vector<1x128xf32>
    %add3A_28 = vector.broadcast %get3A_27 : vector<1x128xf32> to vector<2000x128xf32>
    %add3A_29 = arith.addf %dot_general3A_24, %add3A_28 : vector<2000x128xf32>
    %swap3A = arith.constant 0 : index
    %swap3A_30 = arith.constant 0 : index
    %swap3A_31 = vector.load %arg9[%swap3A, %swap3A_30] : memref<2000x128xf32, #tpu.memory_space<vmem>>, vector<2000x128xf32>
    tpu.vector_store %arg9[%swap3A, %swap3A_30], %add3A_29 {strides = array<i32>} : memref<2000x128xf32, #tpu.memory_space<vmem>>, vector<2000x128xf32>,
    %get3A_32 = arith.constant 0 : index
    %get3A_33 = arith.constant 0 : index
    %get3A_34 = vector.load %arg6[%get3A_32, %get3A_33] : memref<4x128xf32, #tpu.memory_space<vmem>>, vector<4x128xf32>
    %dot_general3A_35 = arith.constant dense<0.000000e+00> : vector<2000x128xf32>
    %dot_general3A_36 = tpu.matmul %exp3A, %get3A_34, %dot_general3A_35 {dimension_numbers = #tpu.dot_dimension_numbers<[1], [0], [0], [1], [0, 0, 1, 1], [], []>, transpose_lhs_hint = false} : vector<2000x4xf32>, vector<4x128xf32>, vector<2000x128xf32> -> vector<2000x128xf32>
    %mul3A_37 = arith.mulf %get3A_8, %dot_general3A_36 : vector<2000x128xf32>
    %swap3A_38 = arith.constant 0 : index
    %swap3A_39 = arith.constant 0 : index
    %swap3A_40 = vector.load %arg10[%swap3A_38, %swap3A_39] : memref<2000x128xf32, #tpu.memory_space<vmem>>, vector<2000x128xf32>
    tpu.vector_store %arg10[%swap3A_38, %swap3A_39], %mul3A_37 {strides = array<i32>} : memref<2000x128xf32, #tpu.memory_space<vmem>>, vector<2000x128xf32>,
    return
  }
  func.func @transform_0(%arg0: i32) -> (i32, i32) {
    %c0_i32 = arith.constant 0 : i32
    %c0_i32_0 = arith.constant 0 : i32
    return %arg0, %c0_i32 : i32, i32
  }
  func.func @transform_1(%arg0: i32) -> (i32, i32) {
    %c0_i32 = arith.constant 0 : i32
    %c0_i32_0 = arith.constant 0 : i32
    return %arg0, %c0_i32 : i32, i32
  }
  func.func @transform_2(%arg0: i32) -> (i32, i32) {
    %c0_i32 = arith.constant 0 : i32
    %c0_i32_0 = arith.constant 0 : i32
    return %arg0, %c0_i32 : i32, i32
  }
  func.func @transform_3(%arg0: i32) -> (i32, i32) {
    %c0_i32 = arith.constant 0 : i32
    %c0_i32_0 = arith.constant 0 : i32
    %c0_i32_1 = arith.constant 0 : i32
    return %c0_i32, %c0_i32_0 : i32, i32
  }
  func.func @transform_4(%arg0: i32) -> (i32, i32) {
    %c0_i32 = arith.constant 0 : i32
    %c0_i32_0 = arith.constant 0 : i32
    %c0_i32_1 = arith.constant 0 : i32
    return %c0_i32, %c0_i32_0 : i32, i32
  }
  func.func @transform_5(%arg0: i32) -> (i32, i32) {
    %c0_i32 = arith.constant 0 : i32
    %c0_i32_0 = arith.constant 0 : i32
    %c0_i32_1 = arith.constant 0 : i32
    return %c0_i32, %c0_i32_0 : i32, i32
  }
  func.func @transform_6(%arg0: i32) -> (i32, i32) {
    %c0_i32 = arith.constant 0 : i32
    %c0_i32_0 = arith.constant 0 : i32
    %c0_i32_1 = arith.constant 0 : i32
    return %c0_i32, %c0_i32_0 : i32, i32
  }
  func.func @transform_7(%arg0: i32) -> (i32, i32) {
    %c0_i32 = arith.constant 0 : i32
    %c0_i32_0 = arith.constant 0 : i32
    %c0_i32_1 = arith.constant 0 : i32
    return %c0_i32, %c0_i32_0 : i32, i32
  }
  func.func @transform_8(%arg0: i32) -> (i32, i32) {
    %c0_i32 = arith.constant 0 : i32
    %c0_i32_0 = arith.constant 0 : i32
    return %arg0, %c0_i32 : i32, i32
  }
  func.func @transform_9(%arg0: i32) -> (i32, i32) {
    %c0_i32 = arith.constant 0 : i32
    %c0_i32_0 = arith.constant 0 : i32
    return %arg0, %c0_i32 : i32, i32
  }
}

module attributes {stable_mosaic.version = 14 : i64} {
  func.func @_final_body(%arg0: i32, %arg1: memref<2000x128xf32, #tpu.memory_space<vmem>>, %arg2: memref<2000x128xf32, #tpu.memory_space<vmem>>, %arg3: memref<2000x128xf32, #tpu.memory_space<vmem>>, %arg4: memref<2000x128xf32, #tpu.memory_space<vmem>>, %arg5: memref<2000x128xf32, #tpu.memory_space<vmem>>, %arg6: memref<2000x128xf32, #tpu.memory_space<vmem>>, %arg7: memref<2000x128xf32, #tpu.memory_space<vmem>>, %arg8: memref<2000x128xf32, #tpu.memory_space<vmem>>, %arg9: memref<128x128xf32, #tpu.memory_space<vmem>>, %arg10: memref<128x4xf32, #tpu.memory_space<vmem>>, %arg11: memref<4x128xf32, #tpu.memory_space<vmem>>, %arg12: memref<1x128xf32, #tpu.memory_space<vmem>>, %arg13: memref<2000x128xf32, #tpu.memory_space<vmem>>) attributes {dimension_semantics = [#tpu.dimension_semantics<arbitrary>], iteration_bounds = array<i64: 5>, scalar_prefetch = 0 : i64, scratch_operands = 0 : i64, tpu.core_type = #tpu.core_type<tc>, window_params = [{transform_indices = @transform_0, window_bounds = array<i64: 2000, 128>}, {transform_indices = @transform_1, window_bounds = array<i64: 2000, 128>}, {transform_indices = @transform_2, window_bounds = array<i64: 2000, 128>}, {transform_indices = @transform_3, window_bounds = array<i64: 2000, 128>}, {transform_indices = @transform_4, window_bounds = array<i64: 2000, 128>}, {transform_indices = @transform_5, window_bounds = array<i64: 2000, 128>}, {transform_indices = @transform_6, window_bounds = array<i64: 2000, 128>}, {transform_indices = @transform_7, window_bounds = array<i64: 2000, 128>}, {pipeline_mode = #tpu.pipeline_mode<synchronous>, transform_indices = @transform_8, window_bounds = array<i64: 128, 128>}, {pipeline_mode = #tpu.pipeline_mode<synchronous>, transform_indices = @transform_9, window_bounds = array<i64: 128, 4>}, {pipeline_mode = #tpu.pipeline_mode<synchronous>, transform_indices = @transform_10, window_bounds = array<i64: 4, 128>}, {pipeline_mode = #tpu.pipeline_mode<synchronous>, transform_indices = @transform_11, window_bounds = array<i64: 1, 128>}, {transform_indices = @transform_12, window_bounds = array<i64: 2000, 128>}]} {
    %get3A = arith.constant 0 : index
    %get3A_0 = arith.constant 0 : index
    %get3A_1 = vector.load %arg7[%get3A, %get3A_0] : memref<2000x128xf32, #tpu.memory_space<vmem>>, vector<2000x128xf32>
    %get3A_2 = arith.constant 0 : index
    %get3A_3 = arith.constant 0 : index
    %get3A_4 = vector.load %arg5[%get3A_2, %get3A_3] : memref<2000x128xf32, #tpu.memory_space<vmem>>, vector<2000x128xf32>
    %get3A_5 = arith.constant 0 : index
    %get3A_6 = arith.constant 0 : index
    %get3A_7 = vector.load %arg6[%get3A_5, %get3A_6] : memref<2000x128xf32, #tpu.memory_space<vmem>>, vector<2000x128xf32>
    %add3A = arith.addf %get3A_4, %get3A_7 : vector<2000x128xf32>
    %get3A_8 = arith.constant 0 : index
    %get3A_9 = arith.constant 0 : index
    %get3A_10 = vector.load %arg1[%get3A_8, %get3A_9] : memref<2000x128xf32, #tpu.memory_space<vmem>>, vector<2000x128xf32>
    %get3A_11 = arith.constant 0 : index
    %get3A_12 = arith.constant 0 : index
    %get3A_13 = vector.load %arg2[%get3A_11, %get3A_12] : memref<2000x128xf32, #tpu.memory_space<vmem>>, vector<2000x128xf32>
    %add3A_14 = arith.addf %get3A_10, %get3A_13 : vector<2000x128xf32>
    %slice3A = vector.extract_strided_slice %add3A {offsets = [0, 4], sizes = [2000, 1], strides = [1, 1]} : vector<2000x128xf32> to vector<2000x1xf32>
    %max3A = arith.constant 1.000000e+00 : f32
    %max3A_15 = vector.broadcast %max3A : f32 to vector<2000x1xf32>
    %max3A_16 = arith.maximumf %slice3A, %max3A_15 : vector<2000x1xf32>
    %div3A = vector.broadcast %max3A_16 : vector<2000x1xf32> to vector<2000x128xf32>
    %div3A_17 = arith.divf %add3A_14, %div3A : vector<2000x128xf32>
    %get3A_18 = arith.constant 0 : index
    %get3A_19 = arith.constant 0 : index
    %get3A_20 = vector.load %arg9[%get3A_18, %get3A_19] : memref<128x128xf32, #tpu.memory_space<vmem>>, vector<128x128xf32>
    %dot_general3A = arith.constant dense<0.000000e+00> : vector<2000x128xf32>
    %dot_general3A_21 = tpu.matmul %div3A_17, %get3A_20, %dot_general3A {dimension_numbers = #tpu.dot_dimension_numbers<[1], [0], [0], [1], [0, 0, 1, 1], [], []>, precision = #tpu.contract_precision<fp32>, transpose_lhs_hint = false} : vector<2000x128xf32>, vector<128x128xf32>, vector<2000x128xf32> -> vector<2000x128xf32>
    %get3A_22 = arith.constant 0 : index
    %get3A_23 = arith.constant 0 : index
    %get3A_24 = vector.load %arg8[%get3A_22, %get3A_23] : memref<2000x128xf32, #tpu.memory_space<vmem>>, vector<2000x128xf32>
    %add3A_25 = arith.addf %get3A_1, %get3A_24 : vector<2000x128xf32>
    %add3A_26 = arith.addf %add3A_25, %dot_general3A_21 : vector<2000x128xf32>
    %mul3A = arith.constant 2.000000e-01 : f32
    %mul3A_27 = vector.broadcast %mul3A : f32 to vector<2000x128xf32>
    %mul3A_28 = arith.mulf %mul3A_27, %add3A_26 : vector<2000x128xf32>
    %max3A_29 = arith.maximumf %add3A_26, %mul3A_28 : vector<2000x128xf32>
    %get3A_30 = arith.constant 0 : index
    %get3A_31 = arith.constant 0 : index
    %get3A_32 = vector.load %arg10[%get3A_30, %get3A_31] : memref<128x4xf32, #tpu.memory_space<vmem>>, vector<128x4xf32>
    %dot_general3A_33 = arith.constant dense<0.000000e+00> : vector<2000x4xf32>
    %dot_general3A_34 = tpu.matmul %max3A_29, %get3A_32, %dot_general3A_33 {dimension_numbers = #tpu.dot_dimension_numbers<[1], [0], [0], [1], [0, 0, 1, 1], [], []>, precision = #tpu.contract_precision<fp32>, transpose_lhs_hint = false} : vector<2000x128xf32>, vector<128x4xf32>, vector<2000x4xf32> -> vector<2000x4xf32>
    %exp3A = math.exp %dot_general3A_34 : vector<2000x4xf32>
    %slice3A_35 = vector.extract_strided_slice %add3A {offsets = [0, 0], sizes = [2000, 4], strides = [1, 1]} : vector<2000x128xf32> to vector<2000x4xf32>
    %add3A_36 = arith.addf %slice3A_35, %exp3A : vector<2000x4xf32>
    %add3A_37 = arith.constant 1.000000e-16 : f32
    %add3A_38 = vector.broadcast %add3A_37 : f32 to vector<2000x4xf32>
    %add3A_39 = arith.addf %add3A_36, %add3A_38 : vector<2000x4xf32>
    %div3A_40 = arith.constant 1.000000e+00 : f32
    %div3A_41 = vector.broadcast %div3A_40 : f32 to vector<2000x4xf32>
    %div3A_42 = arith.divf %div3A_41, %add3A_39 : vector<2000x4xf32>
    %get3A_43 = arith.constant 0 : index
    %get3A_44 = arith.constant 0 : index
    %get3A_45 = vector.load %arg3[%get3A_43, %get3A_44] : memref<2000x128xf32, #tpu.memory_space<vmem>>, vector<2000x128xf32>
    %get3A_46 = arith.constant 0 : index
    %get3A_47 = arith.constant 0 : index
    %get3A_48 = vector.load %arg4[%get3A_46, %get3A_47] : memref<2000x128xf32, #tpu.memory_space<vmem>>, vector<2000x128xf32>
    %add3A_49 = arith.addf %get3A_45, %get3A_48 : vector<2000x128xf32>
    %get3A_50 = arith.constant 0 : index
    %get3A_51 = arith.constant 0 : index
    %get3A_52 = vector.load %arg11[%get3A_50, %get3A_51] : memref<4x128xf32, #tpu.memory_space<vmem>>, vector<4x128xf32>
    %dot_general3A_53 = arith.constant dense<0.000000e+00> : vector<2000x128xf32>
    %dot_general3A_54 = tpu.matmul %div3A_42, %get3A_52, %dot_general3A_53 {dimension_numbers = #tpu.dot_dimension_numbers<[1], [0], [0], [1], [0, 0, 1, 1], [], []>, precision = #tpu.contract_precision<fp32>, transpose_lhs_hint = false} : vector<2000x4xf32>, vector<4x128xf32>, vector<2000x128xf32> -> vector<2000x128xf32>
    %mul3A_55 = arith.mulf %add3A_49, %dot_general3A_54 : vector<2000x128xf32>
    %mul3A_56 = arith.mulf %exp3A, %div3A_42 : vector<2000x4xf32>
    %get3A_57 = arith.constant 0 : index
    %get3A_58 = arith.constant 0 : index
    %get3A_59 = vector.load %arg11[%get3A_57, %get3A_58] : memref<4x128xf32, #tpu.memory_space<vmem>>, vector<4x128xf32>
    %dot_general3A_60 = arith.constant dense<0.000000e+00> : vector<2000x128xf32>
    %dot_general3A_61 = tpu.matmul %mul3A_56, %get3A_59, %dot_general3A_60 {dimension_numbers = #tpu.dot_dimension_numbers<[1], [0], [0], [1], [0, 0, 1, 1], [], []>, precision = #tpu.contract_precision<fp32>, transpose_lhs_hint = false} : vector<2000x4xf32>, vector<4x128xf32>, vector<2000x128xf32> -> vector<2000x128xf32>
    %mul3A_62 = arith.mulf %get3A_1, %dot_general3A_61 : vector<2000x128xf32>
    %add3A_63 = arith.addf %mul3A_55, %mul3A_62 : vector<2000x128xf32>
    %get3A_64 = arith.constant 0 : index
    %get3A_65 = arith.constant 0 : index
    %get3A_66 = vector.load %arg12[%get3A_64, %get3A_65] : memref<1x128xf32, #tpu.memory_space<vmem>>, vector<1x128xf32>
    %add3A_67 = vector.broadcast %get3A_66 : vector<1x128xf32> to vector<2000x128xf32>
    %add3A_68 = arith.addf %add3A_63, %add3A_67 : vector<2000x128xf32>
    %swap3A = arith.constant 0 : index
    %swap3A_69 = arith.constant 0 : index
    %swap3A_70 = vector.load %arg13[%swap3A, %swap3A_69] : memref<2000x128xf32, #tpu.memory_space<vmem>>, vector<2000x128xf32>
    tpu.vector_store %arg13[%swap3A, %swap3A_69], %add3A_68 {strides = array<i32>} : memref<2000x128xf32, #tpu.memory_space<vmem>>, vector<2000x128xf32>,
    return
  }
  func.func @transform_0(%arg0: i32) -> (i32, i32) {
    %c0_i32 = arith.constant 0 : i32
    %c0_i32_0 = arith.constant 0 : i32
    return %arg0, %c0_i32 : i32, i32
  }
  func.func @transform_1(%arg0: i32) -> (i32, i32) {
    %c0_i32 = arith.constant 0 : i32
    %c0_i32_0 = arith.constant 0 : i32
    return %arg0, %c0_i32 : i32, i32
  }
  func.func @transform_2(%arg0: i32) -> (i32, i32) {
    %c0_i32 = arith.constant 0 : i32
    %c0_i32_0 = arith.constant 0 : i32
    return %arg0, %c0_i32 : i32, i32
  }
  func.func @transform_3(%arg0: i32) -> (i32, i32) {
    %c0_i32 = arith.constant 0 : i32
    %c0_i32_0 = arith.constant 0 : i32
    return %arg0, %c0_i32 : i32, i32
  }
  func.func @transform_4(%arg0: i32) -> (i32, i32) {
    %c0_i32 = arith.constant 0 : i32
    %c0_i32_0 = arith.constant 0 : i32
    return %arg0, %c0_i32 : i32, i32
  }
  func.func @transform_5(%arg0: i32) -> (i32, i32) {
    %c0_i32 = arith.constant 0 : i32
    %c0_i32_0 = arith.constant 0 : i32
    return %arg0, %c0_i32 : i32, i32
  }
  func.func @transform_6(%arg0: i32) -> (i32, i32) {
    %c0_i32 = arith.constant 0 : i32
    %c0_i32_0 = arith.constant 0 : i32
    return %arg0, %c0_i32 : i32, i32
  }
  func.func @transform_7(%arg0: i32) -> (i32, i32) {
    %c0_i32 = arith.constant 0 : i32
    %c0_i32_0 = arith.constant 0 : i32
    return %arg0, %c0_i32 : i32, i32
  }
  func.func @transform_8(%arg0: i32) -> (i32, i32) {
    %c0_i32 = arith.constant 0 : i32
    %c0_i32_0 = arith.constant 0 : i32
    %c0_i32_1 = arith.constant 0 : i32
    return %c0_i32, %c0_i32_0 : i32, i32
  }
  func.func @transform_9(%arg0: i32) -> (i32, i32) {
    %c0_i32 = arith.constant 0 : i32
    %c0_i32_0 = arith.constant 0 : i32
    %c0_i32_1 = arith.constant 0 : i32
    return %c0_i32, %c0_i32_0 : i32, i32
  }
  func.func @transform_10(%arg0: i32) -> (i32, i32) {
    %c0_i32 = arith.constant 0 : i32
    %c0_i32_0 = arith.constant 0 : i32
    %c0_i32_1 = arith.constant 0 : i32
    return %c0_i32, %c0_i32_0 : i32, i32
  }
  func.func @transform_11(%arg0: i32) -> (i32, i32) {
    %c0_i32 = arith.constant 0 : i32
    %c0_i32_0 = arith.constant 0 : i32
    %c0_i32_1 = arith.constant 0 : i32
    return %c0_i32, %c0_i32_0 : i32, i32
  }
  func.func @transform_12(%arg0: i32) -> (i32, i32) {
    %c0_i32 = arith.constant 0 : i32
    %c0_i32_0 = arith.constant 0 : i32
    return %arg0, %c0_i32 : i32, i32
  }
}

</mosaic_0001>

<sc_bundles>
// kernel: kernel.11.cloned.1.call-start
scs
__scs_entry_jumppad:
0x0: {  	(pc) =	sbr.rel $0x88, $3  }
0x1: {  	(tag) =	ssettag $0x0;
	lr =	simm.s32 $0x1  }
0x2: {  	[smem:$0x3F99] =	sst lr;
	_ =	strace $0xD0000000  }
0x3: {  	_ = 	snop  }
0x4: {  	_ = 	snop  }
0x5: {  	_ = 	snop  }
0x6: {  	_ = 	snop  }
0x7: {  	_ = 	snop  }
__scs_overlays_trampoline_lowered:
0x8: {  	[smem:$0x3FA8] =	sst s0  }
0x9: {  	[smem:$0x3FA9] =	sst s1  }
0xa: {  	[smem:$0x3FAA] =	sst s2  }
0xb: {  	[smem:$0x3FAB] =	sst s3  }
0xc: {  	[smem:$0x3FAC] =	sst s4  }
0xd: {  	[smem:$0x3FAD] =	sst s5  }
0xe: {  	[smem:$0x3FAE] =	sst s6  }
0xf: {  	[smem:$0x3FAF] =	sst s7  }
0x10: {  	[smem:$0x3FB0] =	sst s8  }
0x11: {  	[smem:$0x3FB1] =	sst s9;
	s0 =	simm.s32 @!p0 $0x0  }
0x12: {  	s1 =	sld [smem:$0x3F97];
	s0 =	simm.s32 @p0 $0x1  }
0x13: {  	[smem:$0x3FB2] =	sst s0;
	s0 =	simm.s32 @!p1 $0x0  }
0x14: {  	s2 =	sld [smem:$0x3F96];
	s0 =	simm.s32 @p1 $0x1  }
0x15: {  	[smem:$0x3FB3] =	sst s0;
	s0 =	simm.s32 @!p2 $0x0  }
0x16: {  	s3 =	sld [smem:$0x3FDB];
	s0 =	simm.s32 @p2 $0x1  }
0x17: {  	s4 =	simm.s32 $0x1BF5;
	[smem:$0x3FB5] =	sst s0  }
0x18: {  	s0 =	sld [smem:$0x3F98];
	_ =	swait.ge [sflag:s4], $0x0  }
0x19: {  	s7 =	sld [smem:$0x3F99]  }
0x1a: {  	s8 =	sadd.s32 $0xFFFFE003, lr  }
0x1b: {  	s9 =	sadd.s32 $0xFFFFFEF7, lr;
	s5 =	simm.s32 $0xFFFFFFFF;
	p2 =	slt.u32 s8, $0xFFFFF086  }
0x1c: {  	p1 =	slt.u32 s9, $0xF7A;
	s5 =	simm.s32 @!p2 $0x0  }
0x1d: {  	s5 =	simm.s32 @p1 $0x1;
	p0 =	seq.s32 s7, s2  }
0x1e: {  	s7 =	smul.u32 @!p0 $0xF7A, s2;
	p2 =	seq.s32 @!p0 s5, $0x0  }
0x1f: {  	s9 =	smul.u32 $0xF7A, s1;
	s8 =	simm.s32 @!p0 $0x1BF5;
	p2 =	por !p2, p0  }
0x20: {  	[sflag:s8] =	ssyncset.s32 @!p0 $0xFFFFF086;
	s6 =	sadd.s32 @!p0 s3, s7;
	s7 =	simm.s32 @!p0 $0x108  }
0x21: {  	s3 =	sadd.s32 s3, s9;
	s6 =	sadd.s32 @!p0 $0x88, s6;
	s7 =	simm.s32 @p2 $0x1082  }
0x22: {  	[simem:s7], [sflag:s8] =	dma.local @!p0 [hbm:s6], $0xF7A  }
0x23: {  	s9 =	sor.u32 $0xD0000000, s2;
	s6 =	simm.s32 $0x108;
	_ =	swait.ge @!p0 [sflag:s8], $0x0  }
0x24: {  	s3 =	sadd.s32 $0x88, s3;
	s6 =	simm.s32 @!p1 $0x1082;
	[sflag:s4] =	ssyncset.s32 $0xFFFFF086  }
0x25: {  	[simem:s6], [sflag:s4] =	dma.local [hbm:s3], $0xF7A  }
0x26: {  	[smem:$0x3F99] =	sst s1;
	(tag) =	ssettag s2;
	_ =	strace s9  }
0x27: {  	s1 =	sld [smem:$0x3FA9]  }
0x28: {  	s2 =	sld [smem:$0x3FAA]  }
0x29: {  	s4 =	sld [smem:$0x3FAC]  }
0x2a: {  	p0 =	seq.s32 s5, $0x0;
	s5 =	sld [smem:$0x3FAD]  }
0x2b: {  	s6 =	sld [smem:$0x3FAE]  }
0x2c: {  	s7 =	sld [smem:$0x3FAF]  }
0x2d: {  	s3 =	simm.s32 $0x108;
	s8 =	sld [smem:$0x3FB0]  }
0x2e: {  	s3 =	simm.s32 @!p0 $0x1082;
	s9 =	sld [smem:$0x3FB1]  }
0x2f: {  	lr =	sadd.s32 s0, s3;
	s0 =	sld [smem:$0x3FA8]  }
0x30: {  	s3 =	sld [smem:$0x3FAB]  }
0x31: {  	[smem:$0x3FB4] =	sst s10  }
0x32: {  	s10 =	sld [smem:$0x3FB2];
	_ =	sdelay $0x3  }
0x33: {  	p0 =	seq.s32 s10, $0x1;
	s10 =	sld [smem:$0x3FB4];
	_ =	sdelay $0x3  }
0x34: {  	[smem:$0x3FB4] =	sst s10  }
0x35: {  	s10 =	sld [smem:$0x3FB3];
	_ =	sdelay $0x3  }
0x36: {  	p1 =	seq.s32 s10, $0x1;
	s10 =	sld [smem:$0x3FB4];
	_ =	sdelay $0x3  }
0x37: {  	[smem:$0x3FB4] =	sst s10  }
0x38: {  	s10 =	sld [smem:$0x3FB5]  }
0x39: {  	_ = 	snop;
	(pc) =	sbr.ind lr, $3  }
0x3a: {  	_ = 	snop  }
0x3b: {  	_ = 	snop  }
0x3c: {  	p2 =	seq.s32 s10, $0x1;
	s10 =	sld [smem:$0x3FB4]  }
0x3d: {  	_ =	shalt  }
0x3e: {  	_ =	shalt  }
0x3f: {  	_ =	shalt  }
0x40: {  	_ =	shalt  }
0x41: {  	_ =	shalt  }
0x42: {  	_ =	shalt  }
0x43: {  	_ =	shalt  }
0x44: {  	_ =	shalt  }
0x45: {  	_ =	shalt  }
0x46: {  	_ =	shalt  }
0x47: {  	_ =	shalt  }
0x48: {  	_ =	shalt  }
0x49: {  	_ =	shalt  }
0x4a: {  	_ =	shalt  }
0x4b: {  	_ =	shalt  }
0x4c: {  	_ =	shalt  }
0x4d: {  	_ =	shalt  }
0x4e: {  	_ =	shalt  }
0x4f: {  	_ =	shalt  }
0x50: {  	_ =	shalt  }
0x51: {  	_ =	shalt  }
0x52: {  	_ =	shalt  }
0x53: {  	_ =	shalt  }
0x54: {  	_ =	shalt  }
0x55: {  	_ =	shalt  }
0x56: {  	_ =	shalt  }
0x57: {  	_ =	shalt  }
0x58: {  	_ =	shalt  }
0x59: {  	_ =	shalt  }
0x5a: {  	_ =	shalt  }
0x5b: {  	_ =	shalt  }
0x5c: {  	_ =	shalt  }
0x5d: {  	_ =	shalt  }
0x5e: {  	_ =	shalt  }
0x5f: {  	_ =	shalt  }
0x60: {  	_ =	shalt  }
0x61: {  	_ =	shalt  }
0x62: {  	_ =	shalt  }
0x63: {  	_ =	shalt  }
0x64: {  	_ =	shalt  }
0x65: {  	_ =	shalt  }
0x66: {  	_ =	shalt  }
0x67: {  	_ =	shalt  }
0x68: {  	_ =	shalt  }
0x69: {  	_ =	shalt  }
0x6a: {  	_ =	shalt  }
0x6b: {  	_ =	shalt  }
0x6c: {  	_ =	shalt  }
0x6d: {  	_ =	shalt  }
0x6e: {  	_ =	shalt  }
0x6f: {  	_ =	shalt  }
0x70: {  	_ =	shalt  }
0x71: {  	_ =	shalt  }
0x72: {  	_ =	shalt  }
0x73: {  	_ =	shalt  }
0x74: {  	_ =	shalt  }
0x75: {  	_ =	shalt  }
0x76: {  	_ =	shalt  }
0x77: {  	_ =	shalt  }
0x78: {  	_ =	shalt  }
0x79: {  	_ =	shalt  }
0x7a: {  	_ =	shalt  }
0x7b: {  	_ =	shalt  }
0x7c: {  	_ =	shalt  }
0x7d: {  	_ =	shalt  }
0x7e: {  	_ =	shalt  }
0x7f: {  	_ =	shalt  }
0x80: {  	_ =	shalt  }
0x81: {  	_ =	shalt  }
0x82: {  	_ =	shalt  }
0x83: {  	_ =	shalt  }
0x84: {  	_ =	shalt  }
0x85: {  	_ =	shalt  }
0x86: {  	_ =	shalt  }
0x87: {  	_ =	shalt  }
.Lfunc_end0:
.L_simem_size_0:
called_computation.1_lowered:
.L_overlay_start_0:
0x88: {  	s2 =	sld [smem:$0x3FD9]  }
0x89: {  	s3 =	sld [smem:$0x3FFE];
	_ =	sdelay $0x1  }
0x8a: {  	s1 =	srdreg.scid  }
0x8b: {  	s0 =	sand.u32 $0x1, s1  }
0x8c: {  	s17 =	sshll.u32 s0, $0xA;
	s2 =	sadd.s32 s3, s2  }
0x8d: {  	s2 =	sadd.s32 s2, s17  }
0x8e: {  	[smem:$0x3FC0] =	sst s2  }
0x8f: {  	_ = 	snop  }
0x90: {  	s2 =	sld [smem:$0x3FD0];
	(tm) =	ssettm $0x1  }
0x91: {  	s18 =	sld [smem:$0x3FFB];
	_ =	sdelay $0x3  }
0x92: {  	_ =	strace s18  }
0x93: {  	s3 =	sld [smem:$0x3FFC];
	_ =	sdelay $0x3  }
0x94: {  	_ =	strace s3  }
0x95: {  	s3 =	sld [smem:$0x3FFD];
	_ =	sdelay $0x3  }
0x96: {  	_ =	strace s3  }
0x97: {  	_ =	strace $0x8FFFFFFF  }
0x98: {  	s19 =	sld [smem:$0x3FDB];
	_ =	sdelay $0x1  }
0x99: {  	s4 =	simm.s32 $_scs_section_size  }
0x9a: {  	s5 =	simm.s32 $_size__tile_overlayer_lowered;
	s6 =	simm.s32 $_tile_overlayer_lowered  }
0x9b: {  	s22 =	simm.s32 $0x1BFF;
	s21 =	sshll.u32 s6, $0x1;
	s3 =	sadd.s32 s4, s19  }
0x9c: {  	s7 =	simm.s32 $0x0;
	s20 =	sshll.u32 s5, $0x1;
	s5 =	sadd.s32 s21, s3  }
0x9d: {  	[timem:s7], [sflag:s22] =	dma.local [hbm:s5], s20  }
0x9e: {  	_ =	swait.ge [sflag:s22], s20  }
0x9f: {  	s4 =	ssub.s32 $0x0, s20;
	[sflag:s22] =	ssyncset.done $0x0  }
0xa0: {  	[sflag:s22] =	ssyncadd.s32 s4;
	_ =	sdelay $0x1  }
0xa1: {  	s23 =	simm.s32 $0x1B8B  }
0xa2: {  	_ =	swait.ge [sflag:s23], $0x1  }
0xa3: {  	[sflag:s23] =	ssyncset.done $0x0  }
0xa4: {  	s25 =	simm.s32 $0x1B8E;
	s24 =	sld [smem:$0x3FFE];
	[sflag:s23] =	ssyncadd.s32 $0xFFFFFFFF  }
0xa5: {  	s26 =	simm.s32 $execute0_lowered;
	[smem:$0x3FD2] =	sst s25  }
0xa6: {  	s5 =	sshll.u32 s26, $0x1;
	_ =	strace $0x80000049;
	[dreg:$0x1] =	wrdreg $0xFFFFFFFF  }
0xa7: {  	s28 =	simm.s32 $_size_execute0_lowered;
	s3 =	sadd.s32 s3, s5;
	[dreg:$0x0] =	wrdreg $0x0  }
0xa8: {  	s5 =	sshll.u32 s28, $0x1;
	[dreg:$0x2] =	wrdreg s3  }
0xa9: {  	[dreg:$0x3] =	wrdreg s5  }
0xaa: {  	[dreg:$0x4] =	wrdreg $0xC0  }
0xab: {  	_ =	task [dreg:s7], $0x5FFFF  }
0xac: {  	[dreg:$0x1] =	wrdreg $0xFFFFFFFF  }
0xad: {  	[dreg:$0x0] =	wrdreg $0x60  }
0xae: {  	[dreg:$0x2] =	wrdreg s24  }
0xaf: {  	[dreg:$0x3] =	wrdreg s2  }
0xb0: {  	[dreg:$0x4] =	wrdreg $0x2C000  }
0xb1: {  	[dreg:$0x5] =	wrdreg $0x9  }
0xb2: {  	_ =	task.clear_ibuf [dreg:s7], $0x6FFFF;
	_ =	strace $0x90000049  }
0xb3: {  	s29 =	simm.s32 $0x9;
	_ =	strace $0x8000004B  }
0xb4: {  	_ =	swait.ge [sflag:s29], $0x1  }
0xb5: {  	[sflag:s29] =	ssyncadd.s32 $0xFFFFFFFF  }
0xb6: {  	_ =	strace $0x9000004B  }
0xb7: {  	_ =	sfence  }
0xb8: {  	s30 =	sld [smem:$0x0];
	_ =	sdelay $0x2  }
0xb9: {  	s31 =	sshll.u32 s1, $0xD;
	s1 =	sshrl.u32 s1, $0x2  }
0xba: {  	s3 =	sand.u32 $0x4000, s31;
	s1 =	sadd.s32 s1, s30  }
0xbb: {  	s0 =	sor.u32 s3, s0;
	s1 =	sshll.u32 s1, $0x11  }
0xbc: {  	s0 =	sor.u32 s1, s0  }
0xbd: {  	s0 =	sadd.s32 $0x8F2B, s0  }
0xbe: {  	[sflag:s0] =	ssyncadd.remote.s32 $0x1  }
0xbf: {  	_ =	sfence.sel $0xFFFF  }
0xc0: {  	[dreg:$0x0] =	wrdreg $0xFFFFFFFF;
	(pc) =	sbr.abs _section_cstart, $3  }
0xc1: {  	[dreg:$0x1] =	wrdreg $0xFFFFFFFF  }
0xc2: {  	_ =	task.clear_ibuf [dreg:s7], $0x2FFFF;
	_ =	strace $0x9FFFFFFF  }
0xc3: {  	(tm) =	ssettm $0x7FFFFFFF  }
tec
execute0_lowered:
.L_overlay_start_1:
0x0: {  	(tag) =	ssettag $0x1  }
0x1: {  	s4 =	rddreg [dreg:$0x0]  }
0x2: {  	s1 =	rddreg [dreg:$0x1]  }
0x3: {  	s2 =	rddreg [dreg:$0x2]  }
0x4: {  	s0 =	rddreg [dreg:$0x3]  }
0x5: {  	s5 =	srdreg.scid;
	s8 =	stileid.u32  }
0x6: {  	s3 =	simm.s32 $0x0;
	s12 =	simm.s32 $0x80;
	s13 =	simm.s32 $0x100  }
0x7: {  	s14 =	simm.s32 $0x180;
	s15 =	simm.s32 $0x200;
	s6 =	smul.u32 $0xC800, s8  }
0x8: {  	s16 =	simm.s32 $0x0;
	s5 =	sand.u32 $0x1, s5;
	s10 =	smul.u32 $0x4E200, s8  }
0x9: {  	[smem:$0x7FF] =	sst s3;
	p0 =	sne.s32 s8, $0x0;
	s7 =	smul.u32 $0x6400, s5  }
0xa: {  	_ =	strace $0x8000004A;
	s30 =	smul.u32 $0x27100, s5;
	s5 =	ssub.s32 $0x2, s5  }
0xb: {  	s8 =	sshrl.u32 @!p0 s2, $0x3;
	s9 =	sshrl.u32 s5, $0x1;
	s6 =	sadd.s32 s7, s6  }
0xc: {  	s31 =	sadd.s32 s30, s4;
	s5 =	ssub.s32 s5, s9;
	s6 =	sshrl.u32 s6, $0x3  }
0xd: {  	s9 =	simm.s32 $0x1;
	s5 =	smax.u32 s5, $0x1;
	s11 =	sadd.s32 s6, s4  }
0xe: {  	s4 =	sadd.s32 $0x82E00, s31;
	s6 =	sadd.s32 s10, s31;
	s10 =	simm.s32 $0x400  }
0xf: {  	s6 =	sadd.s32 $0xA95C00, s6;
	s7 =	sadd.s32 $0x2A00, s11;
	s11 =	simm.s32 $0x50  }
.LBB2_1:
0x10: {  	s17 =	simm.s32 @!p0 $0x1C01  }
0x11: {  	[spmem:s8], [sflag:s17] =	dma.local @!p0 [hbm:s1], $0x27100  }
0x12: {  	s17 =	simm.s32 @!p0 $0x1  }
0x13: {  	_ =	swait.ge @!p0 [sflag:s17], $0x27100  }
0x14: {  	[sflag:s17] =	ssyncset.done @!p0 $0x0  }
0x15: {  	[sflag:s17] =	ssyncadd.s32 @!p0 $0xFFFD8F00  }
0x16: {  	[bflag:$0x0] =	sbarrier.arrive $0xFFFF  }
0x17: {  	[tilespmem:s3], [sflag:$0x1] =	stream.linear.gather [hbm4b:s7+s3], $0x280, $0x38;
	[tilespmem:$0x16480] =	vst v63  }
0x18: {  	_ =	swait.ge [sflag:s9], $0x280  }
0x19: {  	[sflag:s9] =	ssyncset.done $0x0  }
0x1a: {  	s29 =	sadd.s32 $0x0, s6;
	[sflag:s9] =	ssyncadd.s32 $0xFFFFFD80  }
0x1b: {  	[tilespmem:s10], [sflag:$0x1] =	stream.linear.gather [hbm4b:s29+s3], $0x2800, $0x38;
	[tilespmem:$0x16480] =	vst v63  }
0x1c: {  	_ =	swait.ge [sflag:s9], $0x2800  }
0x1d: {  	[sflag:s9] =	ssyncset.done $0x0  }
0x1e: {  	[sflag:s9] =	ssyncadd.s32 $0xFFFFD800  }
0x1f: {  	[spmem:s2] =	stream.indirect.scatter.add.f32 [tilespmem:s10], [sflag:$0x1], $0x80, s3, s11, $0xb8;
	[tilespmem:$0x16480] =	vst v63  }
0x20: {  	_ =	swait.ge [sflag:s9], $0x2800  }
0x21: {  	[sflag:s9] =	ssyncset.done $0x0  }
0x22: {  	s18 =	sadd.s32 $0x500, s29;
	[sflag:s9] =	ssyncadd.s32 $0xFFFFD800  }
0x23: {  	[tilespmem:s10], [sflag:$0x1] =	stream.linear.gather [hbm4b:s18+s3], $0x2800, $0x38;
	[tilespmem:$0x16480] =	vst v63  }
0x24: {  	_ =	swait.ge [sflag:s9], $0x2800  }
0x25: {  	[sflag:s9] =	ssyncset.done $0x0  }
0x26: {  	[sflag:s9] =	ssyncadd.s32 $0xFFFFD800  }
0x27: {  	[spmem:s2] =	stream.indirect.scatter.add.f32 [tilespmem:s10], [sflag:$0x1], $0x80, s12, s11, $0xb8;
	[tilespmem:$0x16480] =	vst v63  }
0x28: {  	_ =	swait.ge [sflag:s9], $0x2800  }
0x29: {  	[sflag:s9] =	ssyncset.done $0x0  }
0x2a: {  	s30 =	sadd.s32 $0xA00, s29;
	[sflag:s9] =	ssyncadd.s32 $0xFFFFD800  }
0x2b: {  	[tilespmem:s10], [sflag:$0x1] =	stream.linear.gather [hbm4b:s30+s3], $0x2800, $0x38;
	[tilespmem:$0x16480] =	vst v63  }
0x2c: {  	_ =	swait.ge [sflag:s9], $0x2800  }
0x2d: {  	[sflag:s9] =	ssyncset.done $0x0  }
0x2e: {  	[sflag:s9] =	ssyncadd.s32 $0xFFFFD800  }
0x2f: {  	[spmem:s2] =	stream.indirect.scatter.add.f32 [tilespmem:s10], [sflag:$0x1], $0x80, s13, s11, $0xb8;
	[tilespmem:$0x16480] =	vst v63  }
0x30: {  	_ =	swait.ge [sflag:s9], $0x2800  }
0x31: {  	[sflag:s9] =	ssyncset.done $0x0  }
0x32: {  	s31 =	sadd.s32 $0xF00, s29;
	[sflag:s9] =	ssyncadd.s32 $0xFFFFD800  }
0x33: {  	[tilespmem:s10], [sflag:$0x1] =	stream.linear.gather [hbm4b:s31+s3], $0x2800, $0x38;
	[tilespmem:$0x16480] =	vst v63  }
0x34: {  	_ =	swait.ge [sflag:s9], $0x2800  }
0x35: {  	[sflag:s9] =	ssyncset.done $0x0  }
0x36: {  	[sflag:s9] =	ssyncadd.s32 $0xFFFFD800  }
0x37: {  	[spmem:s2] =	stream.indirect.scatter.add.f32 [tilespmem:s10], [sflag:$0x1], $0x80, s14, s11, $0xb8;
	[tilespmem:$0x16480] =	vst v63  }
0x38: {  	_ =	swait.ge [sflag:s9], $0x2800  }
0x39: {  	[sflag:s9] =	ssyncset.done $0x0  }
0x3a: {  	s17 =	sadd.s32 $0x1400, s29;
	[sflag:s9] =	ssyncadd.s32 $0xFFFFD800  }
0x3b: {  	[tilespmem:s10], [sflag:$0x1] =	stream.linear.gather [hbm4b:s17+s3], $0x2800, $0x38;
	[tilespmem:$0x16480] =	vst v63  }
0x3c: {  	_ =	swait.ge [sflag:s9], $0x2800  }
0x3d: {  	[sflag:s9] =	ssyncset.done $0x0  }
0x3e: {  	[sflag:s9] =	ssyncadd.s32 $0xFFFFD800  }
0x3f: {  	[spmem:s2] =	stream.indirect.scatter.add.f32 [tilespmem:s10], [sflag:$0x1], $0x80, s15, s11, $0xb8;
	[tilespmem:$0x16480] =	vst v63  }
0x40: {  	_ =	swait.ge [sflag:s9], $0x2800  }
0x41: {  	s18 =	smov.u32 s7;
	s17 =	simm.s32 $0x1900;
	[sflag:s9] =	ssyncset.done $0x0  }
.LBB2_2:
0x42: {  	p1 =	sne.s32 s17, $0x25800;
	[sflag:s9] =	ssyncadd.s32 $0xFFFFD800;
	s18 =	sadd.s32 $0x80, s18  }
0x43: {  	[tilespmem:s3], [sflag:$0x1] =	stream.linear.gather [hbm4b:s18+s3], $0x280, $0x38;
	[tilespmem:$0x16480] =	vst v63  }
0x44: {  	s19 =	smov.u32 s17;
	s17 =	sadd.s32 $0x1900, s17;
	_ =	swait.ge [sflag:s9], $0x280  }
0x45: {  	[sflag:s9] =	ssyncset.done $0x0  }
0x46: {  	s19 =	sadd.s32 s19, s6;
	[sflag:s9] =	ssyncadd.s32 $0xFFFFFD80  }
0x47: {  	[tilespmem:s10], [sflag:$0x1] =	stream.linear.gather [hbm4b:s19+s3], $0x2800, $0x38;
	[tilespmem:$0x16480] =	vst v63  }
0x48: {  	_ =	swait.ge [sflag:s9], $0x2800  }
0x49: {  	[sflag:s9] =	ssyncset.done $0x0  }
0x4a: {  	[sflag:s9] =	ssyncadd.s32 $0xFFFFD800  }
0x4b: {  	[spmem:s2] =	stream.indirect.scatter.add.f32 [tilespmem:s10], [sflag:$0x1], $0x80, s3, s11, $0xb8;
	[tilespmem:$0x16480] =	vst v63  }
0x4c: {  	_ =	swait.ge [sflag:s9], $0x2800  }
0x4d: {  	[sflag:s9] =	ssyncset.done $0x0  }
0x4e: {  	s20 =	sadd.s32 $0x500, s19;
	[sflag:s9] =	ssyncadd.s32 $0xFFFFD800  }
0x4f: {  	[tilespmem:s10], [sflag:$0x1] =	stream.linear.gather [hbm4b:s20+s3], $0x2800, $0x38;
	[tilespmem:$0x16480] =	vst v63  }
0x50: {  	_ =	swait.ge [sflag:s9], $0x2800  }
0x51: {  	[sflag:s9] =	ssyncset.done $0x0  }
0x52: {  	[sflag:s9] =	ssyncadd.s32 $0xFFFFD800  }
0x53: {  	[spmem:s2] =	stream.indirect.scatter.add.f32 [tilespmem:s10], [sflag:$0x1], $0x80, s12, s11, $0xb8;
	[tilespmem:$0x16480] =	vst v63  }
0x54: {  	_ =	swait.ge [sflag:s9], $0x2800  }
0x55: {  	[sflag:s9] =	ssyncset.done $0x0  }
0x56: {  	s20 =	sadd.s32 $0xA00, s19;
	[sflag:s9] =	ssyncadd.s32 $0xFFFFD800  }
0x57: {  	[tilespmem:s10], [sflag:$0x1] =	stream.linear.gather [hbm4b:s20+s3], $0x2800, $0x38;
	[tilespmem:$0x16480] =	vst v63  }
0x58: {  	_ =	swait.ge [sflag:s9], $0x2800  }
0x59: {  	[sflag:s9] =	ssyncset.done $0x0  }
0x5a: {  	[sflag:s9] =	ssyncadd.s32 $0xFFFFD800  }
0x5b: {  	[spmem:s2] =	stream.indirect.scatter.add.f32 [tilespmem:s10], [sflag:$0x1], $0x80, s13, s11, $0xb8;
	[tilespmem:$0x16480] =	vst v63  }
0x5c: {  	_ =	swait.ge [sflag:s9], $0x2800  }
0x5d: {  	[sflag:s9] =	ssyncset.done $0x0  }
0x5e: {  	s20 =	sadd.s32 $0xF00, s19;
	[sflag:s9] =	ssyncadd.s32 $0xFFFFD800  }
0x5f: {  	[tilespmem:s10], [sflag:$0x1] =	stream.linear.gather [hbm4b:s20+s3], $0x2800, $0x38;
	[tilespmem:$0x16480] =	vst v63  }
0x60: {  	_ =	swait.ge [sflag:s9], $0x2800  }
0x61: {  	[sflag:s9] =	ssyncset.done $0x0  }
0x62: {  	[sflag:s9] =	ssyncadd.s32 $0xFFFFD800  }
0x63: {  	[spmem:s2] =	stream.indirect.scatter.add.f32 [tilespmem:s10], [sflag:$0x1], $0x80, s14, s11, $0xb8;
	[tilespmem:$0x16480] =	vst v63  }
0x64: {  	_ =	swait.ge [sflag:s9], $0x2800  }
0x65: {  	[sflag:s9] =	ssyncset.done $0x0  }
0x66: {  	s19 =	sadd.s32 $0x1400, s19;
	[sflag:s9] =	ssyncadd.s32 $0xFFFFD800  }
0x67: {  	[tilespmem:s10], [sflag:$0x1] =	stream.linear.gather [hbm4b:s19+s3], $0x2800, $0x38;
	[tilespmem:$0x16480] =	vst v63  }
0x68: {  	_ =	swait.ge [sflag:s9], $0x2800  }
.Ltmp0:
0x69: {  	[sflag:s9] =	ssyncset.done $0x0;
	(pc) =	sbr.rel @p1 .LBB2_2-.Ltmp0, $4  }
0x6a: {  	[sflag:s9] =	ssyncadd.s32 $0xFFFFD800  }
0x6b: {  	[spmem:s2] =	stream.indirect.scatter.add.f32 [tilespmem:s10], [sflag:$0x1], $0x80, s15, s11, $0xb8;
	[tilespmem:$0x16480] =	vst v63  }
0x6c: {  	_ =	swait.ge [sflag:s9], $0x2800  }
0x6d: {  	[sflag:s9] =	ssyncset.done $0x0  }
0x6e: {  	[sflag:s9] =	ssyncadd.s32 $0xFFFFD800;
	s16 =	sadd.s32 $0x1, s16  }
0x6f: {  	s17 =	simm.s32 @!p0 $0x1C01;
	[bflag:$0x0] =	sbarrier.arrive $0xFFFF;
	p1 =	sne.s32 s16, s5  }
0x70: {  	[hbm:s4], [sflag:s17] =	dma.local @!p0 [spmem:s8], $0x27100  }
.Ltmp1:
0x71: {  	_ = 	snop;
	(pc) =	sbr.rel @p1 .LBB2_1-.Ltmp1, $4  }
0x72: {  	s17 =	simm.s32 @!p0 $0x1  }
0x73: {  	_ =	swait.ge @!p0 [sflag:s17], $0x27100  }
0x74: {  	[sflag:s17] =	ssyncset.done @!p0 $0x0  }
0x75: {  	[sflag:s17] =	ssyncadd.s32 @!p0 $0xFFFD8F00  }
0x76: {  	_ =	sfence.sel $0x180000  }
0x77: {  	[bflag:$0x0] =	sbarrier.arrive $0xFFFF  }
0x78: {  	_ =	strace $0x9000004A  }
0x79: {  	s0 =	sadd.s32 @!p0 $0x100000, s0;
	[bflag:$0x2] =	sbarrier.arrive $0xFFFF  }
0x7a: {  	[sflag:s0] =	ssyncadd.tile.s32 @!p0 $0x1;
	_ =	shalt  }
.Lfunc_end2:
_tile_overlayer_lowered:
.L_overlay_start_2:
0x7b: {  	(tag) =	ssettag $0x2  }
0x7c: {  	s0 =	rddreg [dreg:$0x0];
	s2 =	stileid.u32  }
0x7d: {  	s1 =	rddreg [dreg:$0x1];
	p0 =	sne.s32 s2, $0x0  }
0x7e: {  	s3 =	rddreg [dreg:$0x2];
	[bflag:$0x3] =	sbarrier.arrive $0xFFFF;
	s2 =	simm.s32 @!p0 $0x1C01  }
0x7f: {  	[timem:s3], [sflag:s2] =	dma.local @!p0 [hbm:s0], s1  }
0x80: {  	s0 =	simm.s32 @!p0 $0x1  }
0x81: {  	_ =	swait.ge @!p0 [sflag:s0], s1  }
0x82: {  	s1 =	ssub.s32 @!p0 $0x0, s1;
	[sflag:s0] =	ssyncset.done @!p0 $0x0  }
0x83: {  	[sflag:s0] =	ssyncadd.s32 @!p0 s1  }
0x84: {  	[bflag:$0x3] =	sbarrier.arrive $0xFFFF  }
0x85: {  	_ =	shalt  }

// kernel: kernel.14.cloned.1.call-start
scs
__scs_entry_jumppad:
0x0: {  	(pc) =	sbr.rel $0x88, $3  }
0x1: {  	(tag) =	ssettag $0x0;
	lr =	simm.s32 $0x1  }
0x2: {  	[smem:$0x3F99] =	sst lr;
	_ =	strace $0xD0000000  }
0x3: {  	_ = 	snop  }
0x4: {  	_ = 	snop  }
0x5: {  	_ = 	snop  }
0x6: {  	_ = 	snop  }
0x7: {  	_ = 	snop  }
__scs_overlays_trampoline_lowered:
0x8: {  	[smem:$0x3FA8] =	sst s0  }
0x9: {  	[smem:$0x3FA9] =	sst s1  }
0xa: {  	[smem:$0x3FAA] =	sst s2  }
0xb: {  	[smem:$0x3FAB] =	sst s3  }
0xc: {  	[smem:$0x3FAC] =	sst s4  }
0xd: {  	[smem:$0x3FAD] =	sst s5  }
0xe: {  	[smem:$0x3FAE] =	sst s6  }
0xf: {  	[smem:$0x3FAF] =	sst s7  }
0x10: {  	[smem:$0x3FB0] =	sst s8  }
0x11: {  	[smem:$0x3FB1] =	sst s9;
	s0 =	simm.s32 @!p0 $0x0  }
0x12: {  	s1 =	sld [smem:$0x3F97];
	s0 =	simm.s32 @p0 $0x1  }
0x13: {  	[smem:$0x3FB2] =	sst s0;
	s0 =	simm.s32 @!p1 $0x0  }
0x14: {  	s2 =	sld [smem:$0x3F96];
	s0 =	simm.s32 @p1 $0x1  }
0x15: {  	[smem:$0x3FB3] =	sst s0;
	s0 =	simm.s32 @!p2 $0x0  }
0x16: {  	s3 =	sld [smem:$0x3FDB];
	s0 =	simm.s32 @p2 $0x1  }
0x17: {  	s4 =	simm.s32 $0x1BF5;
	[smem:$0x3FB5] =	sst s0  }
0x18: {  	s0 =	sld [smem:$0x3F98];
	_ =	swait.ge [sflag:s4], $0x0  }
0x19: {  	s7 =	sld [smem:$0x3F99]  }
0x1a: {  	s8 =	sadd.s32 $0xFFFFE003, lr  }
0x1b: {  	s9 =	sadd.s32 $0xFFFFFEF7, lr;
	s5 =	simm.s32 $0xFFFFFFFF;
	p2 =	slt.u32 s8, $0xFFFFF086  }
0x1c: {  	p1 =	slt.u32 s9, $0xF7A;
	s5 =	simm.s32 @!p2 $0x0  }
0x1d: {  	s5 =	simm.s32 @p1 $0x1;
	p0 =	seq.s32 s7, s2  }
0x1e: {  	s7 =	smul.u32 @!p0 $0xF7A, s2;
	p2 =	seq.s32 @!p0 s5, $0x0  }
0x1f: {  	s9 =	smul.u32 $0xF7A, s1;
	s8 =	simm.s32 @!p0 $0x1BF5;
	p2 =	por !p2, p0  }
0x20: {  	[sflag:s8] =	ssyncset.s32 @!p0 $0xFFFFF086;
	s6 =	sadd.s32 @!p0 s3, s7;
	s7 =	simm.s32 @!p0 $0x108  }
0x21: {  	s3 =	sadd.s32 s3, s9;
	s6 =	sadd.s32 @!p0 $0x88, s6;
	s7 =	simm.s32 @p2 $0x1082  }
0x22: {  	[simem:s7], [sflag:s8] =	dma.local @!p0 [hbm:s6], $0xF7A  }
0x23: {  	s9 =	sor.u32 $0xD0000000, s2;
	s6 =	simm.s32 $0x108;
	_ =	swait.ge @!p0 [sflag:s8], $0x0  }
0x24: {  	s3 =	sadd.s32 $0x88, s3;
	s6 =	simm.s32 @!p1 $0x1082;
	[sflag:s4] =	ssyncset.s32 $0xFFFFF086  }
0x25: {  	[simem:s6], [sflag:s4] =	dma.local [hbm:s3], $0xF7A  }
0x26: {  	[smem:$0x3F99] =	sst s1;
	(tag) =	ssettag s2;
	_ =	strace s9  }
0x27: {  	s1 =	sld [smem:$0x3FA9]  }
0x28: {  	s2 =	sld [smem:$0x3FAA]  }
0x29: {  	s4 =	sld [smem:$0x3FAC]  }
0x2a: {  	p0 =	seq.s32 s5, $0x0;
	s5 =	sld [smem:$0x3FAD]  }
0x2b: {  	s6 =	sld [smem:$0x3FAE]  }
0x2c: {  	s7 =	sld [smem:$0x3FAF]  }
0x2d: {  	s3 =	simm.s32 $0x108;
	s8 =	sld [smem:$0x3FB0]  }
0x2e: {  	s3 =	simm.s32 @!p0 $0x1082;
	s9 =	sld [smem:$0x3FB1]  }
0x2f: {  	lr =	sadd.s32 s0, s3;
	s0 =	sld [smem:$0x3FA8]  }
0x30: {  	s3 =	sld [smem:$0x3FAB]  }
0x31: {  	[smem:$0x3FB4] =	sst s10  }
0x32: {  	s10 =	sld [smem:$0x3FB2];
	_ =	sdelay $0x3  }
0x33: {  	p0 =	seq.s32 s10, $0x1;
	s10 =	sld [smem:$0x3FB4];
	_ =	sdelay $0x3  }
0x34: {  	[smem:$0x3FB4] =	sst s10  }
0x35: {  	s10 =	sld [smem:$0x3FB3];
	_ =	sdelay $0x3  }
0x36: {  	p1 =	seq.s32 s10, $0x1;
	s10 =	sld [smem:$0x3FB4];
	_ =	sdelay $0x3  }
0x37: {  	[smem:$0x3FB4] =	sst s10  }
0x38: {  	s10 =	sld [smem:$0x3FB5]  }
0x39: {  	_ = 	snop;
	(pc) =	sbr.ind lr, $3  }
0x3a: {  	_ = 	snop  }
0x3b: {  	_ = 	snop  }
0x3c: {  	p2 =	seq.s32 s10, $0x1;
	s10 =	sld [smem:$0x3FB4]  }
0x3d: {  	_ =	shalt  }
0x3e: {  	_ =	shalt  }
0x3f: {  	_ =	shalt  }
0x40: {  	_ =	shalt  }
0x41: {  	_ =	shalt  }
0x42: {  	_ =	shalt  }
0x43: {  	_ =	shalt  }
0x44: {  	_ =	shalt  }
0x45: {  	_ =	shalt  }
0x46: {  	_ =	shalt  }
0x47: {  	_ =	shalt  }
0x48: {  	_ =	shalt  }
0x49: {  	_ =	shalt  }
0x4a: {  	_ =	shalt  }
0x4b: {  	_ =	shalt  }
0x4c: {  	_ =	shalt  }
0x4d: {  	_ =	shalt  }
0x4e: {  	_ =	shalt  }
0x4f: {  	_ =	shalt  }
0x50: {  	_ =	shalt  }
0x51: {  	_ =	shalt  }
0x52: {  	_ =	shalt  }
0x53: {  	_ =	shalt  }
0x54: {  	_ =	shalt  }
0x55: {  	_ =	shalt  }
0x56: {  	_ =	shalt  }
0x57: {  	_ =	shalt  }
0x58: {  	_ =	shalt  }
0x59: {  	_ =	shalt  }
0x5a: {  	_ =	shalt  }
0x5b: {  	_ =	shalt  }
0x5c: {  	_ =	shalt  }
0x5d: {  	_ =	shalt  }
0x5e: {  	_ =	shalt  }
0x5f: {  	_ =	shalt  }
0x60: {  	_ =	shalt  }
0x61: {  	_ =	shalt  }
0x62: {  	_ =	shalt  }
0x63: {  	_ =	shalt  }
0x64: {  	_ =	shalt  }
0x65: {  	_ =	shalt  }
0x66: {  	_ =	shalt  }
0x67: {  	_ =	shalt  }
0x68: {  	_ =	shalt  }
0x69: {  	_ =	shalt  }
0x6a: {  	_ =	shalt  }
0x6b: {  	_ =	shalt  }
0x6c: {  	_ =	shalt  }
0x6d: {  	_ =	shalt  }
0x6e: {  	_ =	shalt  }
0x6f: {  	_ =	shalt  }
0x70: {  	_ =	shalt  }
0x71: {  	_ =	shalt  }
0x72: {  	_ =	shalt  }
0x73: {  	_ =	shalt  }
0x74: {  	_ =	shalt  }
0x75: {  	_ =	shalt  }
0x76: {  	_ =	shalt  }
0x77: {  	_ =	shalt  }
0x78: {  	_ =	shalt  }
0x79: {  	_ =	shalt  }
0x7a: {  	_ =	shalt  }
0x7b: {  	_ =	shalt  }
0x7c: {  	_ =	shalt  }
0x7d: {  	_ =	shalt  }
0x7e: {  	_ =	shalt  }
0x7f: {  	_ =	shalt  }
0x80: {  	_ =	shalt  }
0x81: {  	_ =	shalt  }
0x82: {  	_ =	shalt  }
0x83: {  	_ =	shalt  }
0x84: {  	_ =	shalt  }
0x85: {  	_ =	shalt  }
0x86: {  	_ =	shalt  }
0x87: {  	_ =	shalt  }
.Lfunc_end0:
.L_simem_size_0:
called_computation.2_lowered:
.L_overlay_start_0:
0x88: {  	s2 =	sld [smem:$0x3FD9]  }
0x89: {  	s3 =	sld [smem:$0x3FFE];
	_ =	sdelay $0x1  }
0x8a: {  	s1 =	srdreg.scid  }
0x8b: {  	s0 =	sand.u32 $0x1, s1  }
0x8c: {  	s17 =	sshll.u32 s0, $0xA;
	s2 =	sadd.s32 s3, s2  }
0x8d: {  	s2 =	sadd.s32 s2, s17  }
0x8e: {  	[smem:$0x3FC0] =	sst s2  }
0x8f: {  	_ = 	snop  }
0x90: {  	s18 =	sld [smem:$0x3FD0];
	(tm) =	ssettm $0x1  }
0x91: {  	s19 =	sld [smem:$0x3FFB];
	_ =	sdelay $0x3  }
0x92: {  	_ =	strace s19  }
0x93: {  	s2 =	sld [smem:$0x3FFC];
	_ =	sdelay $0x3  }
0x94: {  	_ =	strace s2  }
0x95: {  	s2 =	sld [smem:$0x3FFD];
	_ =	sdelay $0x3  }
0x96: {  	_ =	strace s2  }
0x97: {  	_ =	strace $0x8FFFFFFF  }
0x98: {  	s20 =	sld [smem:$0x3FDB];
	_ =	sdelay $0x1  }
0x99: {  	s4 =	simm.s32 $_scs_section_size  }
0x9a: {  	s5 =	simm.s32 $_size__tile_overlayer_lowered;
	s6 =	simm.s32 $_tile_overlayer_lowered  }
0x9b: {  	s7 =	simm.s32 $0x1BFF;
	s21 =	sshll.u32 s6, $0x1;
	s4 =	sadd.s32 s4, s20  }
0x9c: {  	s22 =	simm.s32 $0x0;
	s5 =	sshll.u32 s5, $0x1;
	s6 =	sadd.s32 s21, s4  }
0x9d: {  	[timem:s22], [sflag:s7] =	dma.local [hbm:s6], s5  }
0x9e: {  	_ =	swait.ge [sflag:s7], s5  }
0x9f: {  	s5 =	ssub.s32 $0x0, s5;
	[sflag:s7] =	ssyncset.done $0x0  }
0xa0: {  	[sflag:s7] =	ssyncadd.s32 s5;
	_ =	sdelay $0x1  }
0xa1: {  	s23 =	simm.s32 $0x1B8B  }
0xa2: {  	_ =	swait.ge [sflag:s23], $0x1  }
0xa3: {  	[sflag:s23] =	ssyncset.done $0x0  }
0xa4: {  	[sflag:s23] =	ssyncadd.s32 $0xFFFFFFFF  }
0xa5: {  	s5 =	sld [smem:$0x0]  }
0xa6: {  	s6 =	sand.u32 $0xFFFFFFFE, s1  }
0xa7: {  	p0 =	sne.s32 s1, s6  }
0xa8: {  	s6 =	sshll.u32 @p0 s6, $0xE  }
0xa9: {  	s6 =	sadd.s32 @p0 $0x11B8D, s6;
	s7 =	sshll.u32 @p0 s5, $0x11  }
0xaa: {  	s6 =	sor.u32 @p0 s7, s6  }
0xab: {  	[sflag:s6] =	ssyncadd.remote.s32 @p0 $0x1;
	_ =	sdelay $0x1  }
0xac: {  	s6 =	simm.s32 @p0 $0x1B8D  }
0xad: {  	_ =	swait.eq @p0 [sflag:s6], $0x1  }
0xae: {  	[sflag:s6] =	ssyncadd.s32 @p0 $0xFFFFFFFF  }
0xaf: {  	s7 =	sshll.u32 @!p0 s1, $0xE  }
0xb0: {  	s7 =	sor.u32 @!p0 $0x4000, s7;
	s6 =	simm.s32 @!p0 $0x1B8D  }
0xb1: {  	s5 =	sshll.u32 @!p0 s5, $0x11;
	s7 =	sadd.s32 @!p0 $0x11B8D, s7;
	_ =	swait.eq @!p0 [sflag:s6], $0x1  }
0xb2: {  	s5 =	sor.u32 @!p0 s5, s7;
	[sflag:s6] =	ssyncadd.s32 @!p0 $0xFFFFFFFF  }
0xb3: {  	s25 =	simm.s32 $0x1B8E;
	s24 =	sld [smem:$0x3FFE];
	[sflag:s5] =	ssyncadd.remote.s32 @!p0 $0x1  }
0xb4: {  	s26 =	simm.s32 $execute0_lowered;
	[smem:$0x3FD2] =	sst s25  }
0xb5: {  	s6 =	sshll.u32 s26, $0x1;
	_ =	strace $0x8000004C;
	[dreg:$0x1] =	wrdreg $0xFFFFFFFF  }
0xb6: {  	s28 =	simm.s32 $_size_execute0_lowered;
	s4 =	sadd.s32 s4, s6;
	[dreg:$0x0] =	wrdreg $0x0  }
0xb7: {  	s6 =	sshll.u32 s28, $0x1;
	[dreg:$0x2] =	wrdreg s4  }
0xb8: {  	[dreg:$0x3] =	wrdreg s6  }
0xb9: {  	[dreg:$0x4] =	wrdreg $0xC0  }
0xba: {  	_ =	task [dreg:s22], $0x5FFFF  }
0xbb: {  	[dreg:$0x1] =	wrdreg $0xFFFFFFFF  }
0xbc: {  	[dreg:$0x0] =	wrdreg $0x60  }
0xbd: {  	[dreg:$0x2] =	wrdreg s24  }
0xbe: {  	[dreg:$0x3] =	wrdreg s18  }
0xbf: {  	[dreg:$0x4] =	wrdreg $0x2C000  }
0xc0: {  	[dreg:$0x5] =	wrdreg $0xA  }
0xc1: {  	_ =	task.clear_ibuf [dreg:s22], $0x6FFFF;
	_ =	strace $0x9000004C  }
0xc2: {  	s29 =	simm.s32 $0xA;
	_ =	strace $0x8000004E  }
0xc3: {  	_ =	swait.ge [sflag:s29], $0x1  }
0xc4: {  	[sflag:s29] =	ssyncadd.s32 $0xFFFFFFFF  }
0xc5: {  	_ =	strace $0x9000004E  }
0xc6: {  	_ =	sfence  }
0xc7: {  	s30 =	sld [smem:$0x0];
	_ =	sdelay $0x2  }
0xc8: {  	s31 =	sshll.u32 s1, $0xD;
	s1 =	sshrl.u32 s1, $0x2  }
0xc9: {  	s4 =	sand.u32 $0x4000, s31;
	s1 =	sadd.s32 s1, s30  }
0xca: {  	s0 =	sor.u32 s4, s0;
	s1 =	sshll.u32 s1, $0x11  }
0xcb: {  	s0 =	sor.u32 s1, s0  }
0xcc: {  	s0 =	sadd.s32 $0x8F2B, s0  }
0xcd: {  	[sflag:s0] =	ssyncadd.remote.s32 $0x1  }
0xce: {  	_ =	sfence.sel $0xFFFF  }
0xcf: {  	[dreg:$0x0] =	wrdreg $0xFFFFFFFF;
	(pc) =	sbr.abs _section_cstart, $3  }
0xd0: {  	[dreg:$0x1] =	wrdreg $0xFFFFFFFF  }
0xd1: {  	_ =	task.clear_ibuf [dreg:s22], $0x2FFFF;
	_ =	strace $0x9FFFFFFF  }
0xd2: {  	(tm) =	ssettm $0x7FFFFFFF  }
0xd3: {  	_ =	shalt  }
tec
execute0_lowered:
.L_overlay_start_1:
0x0: {  	(tag) =	ssettag $0x1  }
0x1: {  	s4 =	rddreg [dreg:$0x0]  }
0x2: {  	s1 =	rddreg [dreg:$0x1]  }
0x3: {  	s2 =	rddreg [dreg:$0x2]  }
0x4: {  	s0 =	rddreg [dreg:$0x3]  }
0x5: {  	s5 =	srdreg.scid;
	s8 =	stileid.u32  }
0x6: {  	s3 =	simm.s32 $0x0;
	s12 =	simm.s32 $0x80;
	s13 =	simm.s32 $0x100  }
0x7: {  	s14 =	simm.s32 $0x180;
	s15 =	simm.s32 $0x200;
	s6 =	smul.u32 $0xC800, s8  }
0x8: {  	s16 =	simm.s32 $0x0;
	s5 =	sand.u32 $0x1, s5;
	s10 =	smul.u32 $0x4E200, s8  }
0x9: {  	[smem:$0x7FF] =	sst s3;
	p0 =	sne.s32 s8, $0x0;
	s7 =	smul.u32 $0x6400, s5  }
0xa: {  	_ =	strace $0x8000004D;
	s30 =	smul.u32 $0x27100, s5;
	s5 =	ssub.s32 $0x2, s5  }
0xb: {  	s8 =	sshrl.u32 @!p0 s2, $0x3;
	s9 =	sshrl.u32 s5, $0x1;
	s6 =	sadd.s32 s7, s6  }
0xc: {  	s31 =	sadd.s32 s30, s4;
	s5 =	ssub.s32 s5, s9;
	s6 =	sshrl.u32 s6, $0x3  }
0xd: {  	s9 =	simm.s32 $0x1;
	s5 =	smax.u32 s5, $0x1;
	s11 =	sadd.s32 s6, s4  }
0xe: {  	s4 =	sadd.s32 $0xD1000, s31;
	s6 =	sadd.s32 s10, s31;
	s10 =	simm.s32 $0x400  }
0xf: {  	s6 =	sadd.s32 $0xF77C00, s6;
	s7 =	sadd.s32 $0x2A00, s11;
	s11 =	simm.s32 $0x50  }
.LBB2_1:
0x10: {  	s17 =	simm.s32 @!p0 $0x1C01  }
0x11: {  	[spmem:s8], [sflag:s17] =	dma.local @!p0 [hbm:s1], $0x27100  }
0x12: {  	s17 =	simm.s32 @!p0 $0x1  }
0x13: {  	_ =	swait.ge @!p0 [sflag:s17], $0x27100  }
0x14: {  	[sflag:s17] =	ssyncset.done @!p0 $0x0  }
0x15: {  	[sflag:s17] =	ssyncadd.s32 @!p0 $0xFFFD8F00  }
0x16: {  	[bflag:$0x0] =	sbarrier.arrive $0xFFFF  }
0x17: {  	[tilespmem:s3], [sflag:$0x1] =	stream.linear.gather [hbm4b:s7+s3], $0x280, $0x38;
	[tilespmem:$0x16480] =	vst v63  }
0x18: {  	_ =	swait.ge [sflag:s9], $0x280  }
0x19: {  	[sflag:s9] =	ssyncset.done $0x0  }
0x1a: {  	s29 =	sadd.s32 $0x0, s6;
	[sflag:s9] =	ssyncadd.s32 $0xFFFFFD80  }
0x1b: {  	[tilespmem:s10], [sflag:$0x1] =	stream.linear.gather [hbm4b:s29+s3], $0x2800, $0x38;
	[tilespmem:$0x16480] =	vst v63  }
0x1c: {  	_ =	swait.ge [sflag:s9], $0x2800  }
0x1d: {  	[sflag:s9] =	ssyncset.done $0x0  }
0x1e: {  	[sflag:s9] =	ssyncadd.s32 $0xFFFFD800  }
0x1f: {  	[spmem:s2] =	stream.indirect.scatter.add.f32 [tilespmem:s10], [sflag:$0x1], $0x80, s3, s11, $0xb8;
	[tilespmem:$0x16480] =	vst v63  }
0x20: {  	_ =	swait.ge [sflag:s9], $0x2800  }
0x21: {  	[sflag:s9] =	ssyncset.done $0x0  }
0x22: {  	s18 =	sadd.s32 $0x500, s29;
	[sflag:s9] =	ssyncadd.s32 $0xFFFFD800  }
0x23: {  	[tilespmem:s10], [sflag:$0x1] =	stream.linear.gather [hbm4b:s18+s3], $0x2800, $0x38;
	[tilespmem:$0x16480] =	vst v63  }
0x24: {  	_ =	swait.ge [sflag:s9], $0x2800  }
0x25: {  	[sflag:s9] =	ssyncset.done $0x0  }
0x26: {  	[sflag:s9] =	ssyncadd.s32 $0xFFFFD800  }
0x27: {  	[spmem:s2] =	stream.indirect.scatter.add.f32 [tilespmem:s10], [sflag:$0x1], $0x80, s12, s11, $0xb8;
	[tilespmem:$0x16480] =	vst v63  }
0x28: {  	_ =	swait.ge [sflag:s9], $0x2800  }
0x29: {  	[sflag:s9] =	ssyncset.done $0x0  }
0x2a: {  	s30 =	sadd.s32 $0xA00, s29;
	[sflag:s9] =	ssyncadd.s32 $0xFFFFD800  }
0x2b: {  	[tilespmem:s10], [sflag:$0x1] =	stream.linear.gather [hbm4b:s30+s3], $0x2800, $0x38;
	[tilespmem:$0x16480] =	vst v63  }
0x2c: {  	_ =	swait.ge [sflag:s9], $0x2800  }
0x2d: {  	[sflag:s9] =	ssyncset.done $0x0  }
0x2e: {  	[sflag:s9] =	ssyncadd.s32 $0xFFFFD800  }
0x2f: {  	[spmem:s2] =	stream.indirect.scatter.add.f32 [tilespmem:s10], [sflag:$0x1], $0x80, s13, s11, $0xb8;
	[tilespmem:$0x16480] =	vst v63  }
0x30: {  	_ =	swait.ge [sflag:s9], $0x2800  }
0x31: {  	[sflag:s9] =	ssyncset.done $0x0  }
0x32: {  	s31 =	sadd.s32 $0xF00, s29;
	[sflag:s9] =	ssyncadd.s32 $0xFFFFD800  }
0x33: {  	[tilespmem:s10], [sflag:$0x1] =	stream.linear.gather [hbm4b:s31+s3], $0x2800, $0x38;
	[tilespmem:$0x16480] =	vst v63  }
0x34: {  	_ =	swait.ge [sflag:s9], $0x2800  }
0x35: {  	[sflag:s9] =	ssyncset.done $0x0  }
0x36: {  	[sflag:s9] =	ssyncadd.s32 $0xFFFFD800  }
0x37: {  	[spmem:s2] =	stream.indirect.scatter.add.f32 [tilespmem:s10], [sflag:$0x1], $0x80, s14, s11, $0xb8;
	[tilespmem:$0x16480] =	vst v63  }
0x38: {  	_ =	swait.ge [sflag:s9], $0x2800  }
0x39: {  	[sflag:s9] =	ssyncset.done $0x0  }
0x3a: {  	s17 =	sadd.s32 $0x1400, s29;
	[sflag:s9] =	ssyncadd.s32 $0xFFFFD800  }
0x3b: {  	[tilespmem:s10], [sflag:$0x1] =	stream.linear.gather [hbm4b:s17+s3], $0x2800, $0x38;
	[tilespmem:$0x16480] =	vst v63  }
0x3c: {  	_ =	swait.ge [sflag:s9], $0x2800  }
0x3d: {  	[sflag:s9] =	ssyncset.done $0x0  }
0x3e: {  	[sflag:s9] =	ssyncadd.s32 $0xFFFFD800  }
0x3f: {  	[spmem:s2] =	stream.indirect.scatter.add.f32 [tilespmem:s10], [sflag:$0x1], $0x80, s15, s11, $0xb8;
	[tilespmem:$0x16480] =	vst v63  }
0x40: {  	_ =	swait.ge [sflag:s9], $0x2800  }
0x41: {  	s18 =	smov.u32 s7;
	s17 =	simm.s32 $0x1900;
	[sflag:s9] =	ssyncset.done $0x0  }
.LBB2_2:
0x42: {  	p1 =	sne.s32 s17, $0x25800;
	[sflag:s9] =	ssyncadd.s32 $0xFFFFD800;
	s18 =	sadd.s32 $0x80, s18  }
0x43: {  	[tilespmem:s3], [sflag:$0x1] =	stream.linear.gather [hbm4b:s18+s3], $0x280, $0x38;
	[tilespmem:$0x16480] =	vst v63  }
0x44: {  	s19 =	smov.u32 s17;
	s17 =	sadd.s32 $0x1900, s17;
	_ =	swait.ge [sflag:s9], $0x280  }
0x45: {  	[sflag:s9] =	ssyncset.done $0x0  }
0x46: {  	s19 =	sadd.s32 s19, s6;
	[sflag:s9] =	ssyncadd.s32 $0xFFFFFD80  }
0x47: {  	[tilespmem:s10], [sflag:$0x1] =	stream.linear.gather [hbm4b:s19+s3], $0x2800, $0x38;
	[tilespmem:$0x16480] =	vst v63  }
0x48: {  	_ =	swait.ge [sflag:s9], $0x2800  }
0x49: {  	[sflag:s9] =	ssyncset.done $0x0  }
0x4a: {  	[sflag:s9] =	ssyncadd.s32 $0xFFFFD800  }
0x4b: {  	[spmem:s2] =	stream.indirect.scatter.add.f32 [tilespmem:s10], [sflag:$0x1], $0x80, s3, s11, $0xb8;
	[tilespmem:$0x16480] =	vst v63  }
0x4c: {  	_ =	swait.ge [sflag:s9], $0x2800  }
0x4d: {  	[sflag:s9] =	ssyncset.done $0x0  }
0x4e: {  	s20 =	sadd.s32 $0x500, s19;
	[sflag:s9] =	ssyncadd.s32 $0xFFFFD800  }
0x4f: {  	[tilespmem:s10], [sflag:$0x1] =	stream.linear.gather [hbm4b:s20+s3], $0x2800, $0x38;
	[tilespmem:$0x16480] =	vst v63  }
0x50: {  	_ =	swait.ge [sflag:s9], $0x2800  }
0x51: {  	[sflag:s9] =	ssyncset.done $0x0  }
0x52: {  	[sflag:s9] =	ssyncadd.s32 $0xFFFFD800  }
0x53: {  	[spmem:s2] =	stream.indirect.scatter.add.f32 [tilespmem:s10], [sflag:$0x1], $0x80, s12, s11, $0xb8;
	[tilespmem:$0x16480] =	vst v63  }
0x54: {  	_ =	swait.ge [sflag:s9], $0x2800  }
0x55: {  	[sflag:s9] =	ssyncset.done $0x0  }
0x56: {  	s20 =	sadd.s32 $0xA00, s19;
	[sflag:s9] =	ssyncadd.s32 $0xFFFFD800  }
0x57: {  	[tilespmem:s10], [sflag:$0x1] =	stream.linear.gather [hbm4b:s20+s3], $0x2800, $0x38;
	[tilespmem:$0x16480] =	vst v63  }
0x58: {  	_ =	swait.ge [sflag:s9], $0x2800  }
0x59: {  	[sflag:s9] =	ssyncset.done $0x0  }
0x5a: {  	[sflag:s9] =	ssyncadd.s32 $0xFFFFD800  }
0x5b: {  	[spmem:s2] =	stream.indirect.scatter.add.f32 [tilespmem:s10], [sflag:$0x1], $0x80, s13, s11, $0xb8;
	[tilespmem:$0x16480] =	vst v63  }
0x5c: {  	_ =	swait.ge [sflag:s9], $0x2800  }
0x5d: {  	[sflag:s9] =	ssyncset.done $0x0  }
0x5e: {  	s20 =	sadd.s32 $0xF00, s19;
	[sflag:s9] =	ssyncadd.s32 $0xFFFFD800  }
0x5f: {  	[tilespmem:s10], [sflag:$0x1] =	stream.linear.gather [hbm4b:s20+s3], $0x2800, $0x38;
	[tilespmem:$0x16480] =	vst v63  }
0x60: {  	_ =	swait.ge [sflag:s9], $0x2800  }
0x61: {  	[sflag:s9] =	ssyncset.done $0x0  }
0x62: {  	[sflag:s9] =	ssyncadd.s32 $0xFFFFD800  }
0x63: {  	[spmem:s2] =	stream.indirect.scatter.add.f32 [tilespmem:s10], [sflag:$0x1], $0x80, s14, s11, $0xb8;
	[tilespmem:$0x16480] =	vst v63  }
0x64: {  	_ =	swait.ge [sflag:s9], $0x2800  }
0x65: {  	[sflag:s9] =	ssyncset.done $0x0  }
0x66: {  	s19 =	sadd.s32 $0x1400, s19;
	[sflag:s9] =	ssyncadd.s32 $0xFFFFD800  }
0x67: {  	[tilespmem:s10], [sflag:$0x1] =	stream.linear.gather [hbm4b:s19+s3], $0x2800, $0x38;
	[tilespmem:$0x16480] =	vst v63  }
0x68: {  	_ =	swait.ge [sflag:s9], $0x2800  }
.Ltmp0:
0x69: {  	[sflag:s9] =	ssyncset.done $0x0;
	(pc) =	sbr.rel @p1 .LBB2_2-.Ltmp0, $4  }
0x6a: {  	[sflag:s9] =	ssyncadd.s32 $0xFFFFD800  }
0x6b: {  	[spmem:s2] =	stream.indirect.scatter.add.f32 [tilespmem:s10], [sflag:$0x1], $0x80, s15, s11, $0xb8;
	[tilespmem:$0x16480] =	vst v63  }
0x6c: {  	_ =	swait.ge [sflag:s9], $0x2800  }
0x6d: {  	[sflag:s9] =	ssyncset.done $0x0  }
0x6e: {  	[sflag:s9] =	ssyncadd.s32 $0xFFFFD800;
	s16 =	sadd.s32 $0x1, s16  }
0x6f: {  	s17 =	simm.s32 @!p0 $0x1C01;
	[bflag:$0x0] =	sbarrier.arrive $0xFFFF;
	p1 =	sne.s32 s16, s5  }
0x70: {  	[hbm:s4], [sflag:s17] =	dma.local @!p0 [spmem:s8], $0x27100  }
.Ltmp1:
0x71: {  	_ = 	snop;
	(pc) =	sbr.rel @p1 .LBB2_1-.Ltmp1, $4  }
0x72: {  	s17 =	simm.s32 @!p0 $0x1  }
0x73: {  	_ =	swait.ge @!p0 [sflag:s17], $0x27100  }
0x74: {  	[sflag:s17] =	ssyncset.done @!p0 $0x0  }
0x75: {  	[sflag:s17] =	ssyncadd.s32 @!p0 $0xFFFD8F00  }
0x76: {  	_ =	sfence.sel $0x180000  }
0x77: {  	[bflag:$0x0] =	sbarrier.arrive $0xFFFF  }
0x78: {  	_ =	strace $0x9000004D  }
0x79: {  	s0 =	sadd.s32 @!p0 $0x100000, s0;
	[bflag:$0x2] =	sbarrier.arrive $0xFFFF  }
0x7a: {  	[sflag:s0] =	ssyncadd.tile.s32 @!p0 $0x1;
	_ =	shalt  }
.Lfunc_end2:
_tile_overlayer_lowered:
.L_overlay_start_2:
0x7b: {  	(tag) =	ssettag $0x2  }
0x7c: {  	s0 =	rddreg [dreg:$0x0];
	s2 =	stileid.u32  }
0x7d: {  	s1 =	rddreg [dreg:$0x1];
	p0 =	sne.s32 s2, $0x0  }
0x7e: {  	s3 =	rddreg [dreg:$0x2];
	[bflag:$0x3] =	sbarrier.arrive $0xFFFF;
	s2 =	simm.s32 @!p0 $0x1C01  }
0x7f: {  	[timem:s3], [sflag:s2] =	dma.local @!p0 [hbm:s0], s1  }
0x80: {  	s0 =	simm.s32 @!p0 $0x1  }
0x81: {  	_ =	swait.ge @!p0 [sflag:s0], s1  }
0x82: {  	s1 =	ssub.s32 @!p0 $0x0, s1;
	[sflag:s0] =	ssyncset.done @!p0 $0x0  }
0x83: {  	[sflag:s0] =	ssyncadd.s32 @!p0 s1  }
0x84: {  	[bflag:$0x3] =	sbarrier.arrive $0xFFFF  }
0x85: {  	_ =	shalt  }

// kernel: kernel.8.cloned.1.call-start
scs
__scs_entry_jumppad:
0x0: {  	(pc) =	sbr.rel $0x88, $3  }
0x1: {  	(tag) =	ssettag $0x0;
	lr =	simm.s32 $0x1  }
0x2: {  	[smem:$0x3F99] =	sst lr;
	_ =	strace $0xD0000000  }
0x3: {  	_ = 	snop  }
0x4: {  	_ = 	snop  }
0x5: {  	_ = 	snop  }
0x6: {  	_ = 	snop  }
0x7: {  	_ = 	snop  }
__scs_overlays_trampoline_lowered:
0x8: {  	[smem:$0x3FA8] =	sst s0  }
0x9: {  	[smem:$0x3FA9] =	sst s1  }
0xa: {  	[smem:$0x3FAA] =	sst s2  }
0xb: {  	[smem:$0x3FAB] =	sst s3  }
0xc: {  	[smem:$0x3FAC] =	sst s4  }
0xd: {  	[smem:$0x3FAD] =	sst s5  }
0xe: {  	[smem:$0x3FAE] =	sst s6  }
0xf: {  	[smem:$0x3FAF] =	sst s7  }
0x10: {  	[smem:$0x3FB0] =	sst s8  }
0x11: {  	[smem:$0x3FB1] =	sst s9;
	s0 =	simm.s32 @!p0 $0x0  }
0x12: {  	s1 =	sld [smem:$0x3F97];
	s0 =	simm.s32 @p0 $0x1  }
0x13: {  	[smem:$0x3FB2] =	sst s0;
	s0 =	simm.s32 @!p1 $0x0  }
0x14: {  	s2 =	sld [smem:$0x3F96];
	s0 =	simm.s32 @p1 $0x1  }
0x15: {  	[smem:$0x3FB3] =	sst s0;
	s0 =	simm.s32 @!p2 $0x0  }
0x16: {  	s3 =	sld [smem:$0x3FDB];
	s0 =	simm.s32 @p2 $0x1  }
0x17: {  	s4 =	simm.s32 $0x1BF5;
	[smem:$0x3FB5] =	sst s0  }
0x18: {  	s0 =	sld [smem:$0x3F98];
	_ =	swait.ge [sflag:s4], $0x0  }
0x19: {  	s7 =	sld [smem:$0x3F99]  }
0x1a: {  	s8 =	sadd.s32 $0xFFFFE003, lr  }
0x1b: {  	s9 =	sadd.s32 $0xFFFFFEF7, lr;
	s5 =	simm.s32 $0xFFFFFFFF;
	p2 =	slt.u32 s8, $0xFFFFF086  }
0x1c: {  	p1 =	slt.u32 s9, $0xF7A;
	s5 =	simm.s32 @!p2 $0x0  }
0x1d: {  	s5 =	simm.s32 @p1 $0x1;
	p0 =	seq.s32 s7, s2  }
0x1e: {  	s7 =	smul.u32 @!p0 $0xF7A, s2;
	p2 =	seq.s32 @!p0 s5, $0x0  }
0x1f: {  	s9 =	smul.u32 $0xF7A, s1;
	s8 =	simm.s32 @!p0 $0x1BF5;
	p2 =	por !p2, p0  }
0x20: {  	[sflag:s8] =	ssyncset.s32 @!p0 $0xFFFFF086;
	s6 =	sadd.s32 @!p0 s3, s7;
	s7 =	simm.s32 @!p0 $0x108  }
0x21: {  	s3 =	sadd.s32 s3, s9;
	s6 =	sadd.s32 @!p0 $0x88, s6;
	s7 =	simm.s32 @p2 $0x1082  }
0x22: {  	[simem:s7], [sflag:s8] =	dma.local @!p0 [hbm:s6], $0xF7A  }
0x23: {  	s9 =	sor.u32 $0xD0000000, s2;
	s6 =	simm.s32 $0x108;
	_ =	swait.ge @!p0 [sflag:s8], $0x0  }
0x24: {  	s3 =	sadd.s32 $0x88, s3;
	s6 =	simm.s32 @!p1 $0x1082;
	[sflag:s4] =	ssyncset.s32 $0xFFFFF086  }
0x25: {  	[simem:s6], [sflag:s4] =	dma.local [hbm:s3], $0xF7A  }
0x26: {  	[smem:$0x3F99] =	sst s1;
	(tag) =	ssettag s2;
	_ =	strace s9  }
0x27: {  	s1 =	sld [smem:$0x3FA9]  }
0x28: {  	s2 =	sld [smem:$0x3FAA]  }
0x29: {  	s4 =	sld [smem:$0x3FAC]  }
0x2a: {  	p0 =	seq.s32 s5, $0x0;
	s5 =	sld [smem:$0x3FAD]  }
0x2b: {  	s6 =	sld [smem:$0x3FAE]  }
0x2c: {  	s7 =	sld [smem:$0x3FAF]  }
0x2d: {  	s3 =	simm.s32 $0x108;
	s8 =	sld [smem:$0x3FB0]  }
0x2e: {  	s3 =	simm.s32 @!p0 $0x1082;
	s9 =	sld [smem:$0x3FB1]  }
0x2f: {  	lr =	sadd.s32 s0, s3;
	s0 =	sld [smem:$0x3FA8]  }
0x30: {  	s3 =	sld [smem:$0x3FAB]  }
0x31: {  	[smem:$0x3FB4] =	sst s10  }
0x32: {  	s10 =	sld [smem:$0x3FB2];
	_ =	sdelay $0x3  }
0x33: {  	p0 =	seq.s32 s10, $0x1;
	s10 =	sld [smem:$0x3FB4];
	_ =	sdelay $0x3  }
0x34: {  	[smem:$0x3FB4] =	sst s10  }
0x35: {  	s10 =	sld [smem:$0x3FB3];
	_ =	sdelay $0x3  }
0x36: {  	p1 =	seq.s32 s10, $0x1;
	s10 =	sld [smem:$0x3FB4];
	_ =	sdelay $0x3  }
0x37: {  	[smem:$0x3FB4] =	sst s10  }
0x38: {  	s10 =	sld [smem:$0x3FB5]  }
0x39: {  	_ = 	snop;
	(pc) =	sbr.ind lr, $3  }
0x3a: {  	_ = 	snop  }
0x3b: {  	_ = 	snop  }
0x3c: {  	p2 =	seq.s32 s10, $0x1;
	s10 =	sld [smem:$0x3FB4]  }
0x3d: {  	_ =	shalt  }
0x3e: {  	_ =	shalt  }
0x3f: {  	_ =	shalt  }
0x40: {  	_ =	shalt  }
0x41: {  	_ =	shalt  }
0x42: {  	_ =	shalt  }
0x43: {  	_ =	shalt  }
0x44: {  	_ =	shalt  }
0x45: {  	_ =	shalt  }
0x46: {  	_ =	shalt  }
0x47: {  	_ =	shalt  }
0x48: {  	_ =	shalt  }
0x49: {  	_ =	shalt  }
0x4a: {  	_ =	shalt  }
0x4b: {  	_ =	shalt  }
0x4c: {  	_ =	shalt  }
0x4d: {  	_ =	shalt  }
0x4e: {  	_ =	shalt  }
0x4f: {  	_ =	shalt  }
0x50: {  	_ =	shalt  }
0x51: {  	_ =	shalt  }
0x52: {  	_ =	shalt  }
0x53: {  	_ =	shalt  }
0x54: {  	_ =	shalt  }
0x55: {  	_ =	shalt  }
0x56: {  	_ =	shalt  }
0x57: {  	_ =	shalt  }
0x58: {  	_ =	shalt  }
0x59: {  	_ =	shalt  }
0x5a: {  	_ =	shalt  }
0x5b: {  	_ =	shalt  }
0x5c: {  	_ =	shalt  }
0x5d: {  	_ =	shalt  }
0x5e: {  	_ =	shalt  }
0x5f: {  	_ =	shalt  }
0x60: {  	_ =	shalt  }
0x61: {  	_ =	shalt  }
0x62: {  	_ =	shalt  }
0x63: {  	_ =	shalt  }
0x64: {  	_ =	shalt  }
0x65: {  	_ =	shalt  }
0x66: {  	_ =	shalt  }
0x67: {  	_ =	shalt  }
0x68: {  	_ =	shalt  }
0x69: {  	_ =	shalt  }
0x6a: {  	_ =	shalt  }
0x6b: {  	_ =	shalt  }
0x6c: {  	_ =	shalt  }
0x6d: {  	_ =	shalt  }
0x6e: {  	_ =	shalt  }
0x6f: {  	_ =	shalt  }
0x70: {  	_ =	shalt  }
0x71: {  	_ =	shalt  }
0x72: {  	_ =	shalt  }
0x73: {  	_ =	shalt  }
0x74: {  	_ =	shalt  }
0x75: {  	_ =	shalt  }
0x76: {  	_ =	shalt  }
0x77: {  	_ =	shalt  }
0x78: {  	_ =	shalt  }
0x79: {  	_ =	shalt  }
0x7a: {  	_ =	shalt  }
0x7b: {  	_ =	shalt  }
0x7c: {  	_ =	shalt  }
0x7d: {  	_ =	shalt  }
0x7e: {  	_ =	shalt  }
0x7f: {  	_ =	shalt  }
0x80: {  	_ =	shalt  }
0x81: {  	_ =	shalt  }
0x82: {  	_ =	shalt  }
0x83: {  	_ =	shalt  }
0x84: {  	_ =	shalt  }
0x85: {  	_ =	shalt  }
0x86: {  	_ =	shalt  }
0x87: {  	_ =	shalt  }
.Lfunc_end0:
.L_simem_size_0:
called_computation_lowered:
.L_overlay_start_0:
0x88: {  	s2 =	sld [smem:$0x3FD9]  }
0x89: {  	s3 =	sld [smem:$0x3FFE];
	_ =	sdelay $0x1  }
0x8a: {  	s1 =	srdreg.scid  }
0x8b: {  	s0 =	sand.u32 $0x1, s1  }
0x8c: {  	s17 =	sshll.u32 s0, $0xA;
	s2 =	sadd.s32 s3, s2  }
0x8d: {  	s2 =	sadd.s32 s2, s17  }
0x8e: {  	[smem:$0x3FC0] =	sst s2  }
0x8f: {  	_ = 	snop  }
0x90: {  	s2 =	sld [smem:$0x3FC7]  }
0x91: {  	s18 =	sld [smem:$0x3FD0];
	(tm) =	ssettm $0x1  }
0x92: {  	s4 =	sld [smem:$0x3FFB];
	_ =	sdelay $0x3  }
0x93: {  	_ =	strace s4  }
0x94: {  	s4 =	sld [smem:$0x3FFC];
	_ =	sdelay $0x3  }
0x95: {  	_ =	strace s4  }
0x96: {  	s4 =	sld [smem:$0x3FFD];
	_ =	sdelay $0x3  }
0x97: {  	_ =	strace s4  }
0x98: {  	_ =	strace $0x8FFFFFFF  }
0x99: {  	s19 =	sld [smem:$0x3FDB];
	_ =	sdelay $0x1  }
0x9a: {  	s5 =	simm.s32 $_scs_section_size  }
0x9b: {  	s6 =	simm.s32 $_size__tile_overlayer_lowered;
	s7 =	simm.s32 $_tile_overlayer_lowered  }
0x9c: {  	s22 =	simm.s32 $0x1BFF;
	s21 =	sshll.u32 s7, $0x1;
	s4 =	sadd.s32 s5, s19  }
0x9d: {  	s8 =	simm.s32 $0x0;
	s20 =	sshll.u32 s6, $0x1;
	s6 =	sadd.s32 s21, s4  }
0x9e: {  	[timem:s8], [sflag:s22] =	dma.local [hbm:s6], s20  }
0x9f: {  	_ =	swait.ge [sflag:s22], s20  }
0xa0: {  	s5 =	ssub.s32 $0x0, s20;
	[sflag:s22] =	ssyncset.done $0x0  }
0xa1: {  	[sflag:s22] =	ssyncadd.s32 s5;
	_ =	sdelay $0x1  }
0xa2: {  	s23 =	simm.s32 $0x1B8B  }
0xa3: {  	_ =	swait.ge [sflag:s23], $0x1  }
0xa4: {  	[sflag:s23] =	ssyncset.done $0x0  }
0xa5: {  	s25 =	simm.s32 $0x1B8E;
	s24 =	sld [smem:$0x3FFE];
	[sflag:s23] =	ssyncadd.s32 $0xFFFFFFFF  }
0xa6: {  	s26 =	simm.s32 $execute0_lowered;
	[smem:$0x3FD2] =	sst s25  }
0xa7: {  	s6 =	sshll.u32 s26, $0x1;
	_ =	strace $0x80000046;
	[dreg:$0x1] =	wrdreg $0xFFFFFFFF  }
0xa8: {  	s28 =	simm.s32 $_size_execute0_lowered;
	s4 =	sadd.s32 s4, s6;
	[dreg:$0x0] =	wrdreg $0x0  }
0xa9: {  	s6 =	sshll.u32 s28, $0x1;
	[dreg:$0x2] =	wrdreg s4  }
0xaa: {  	[dreg:$0x3] =	wrdreg s6  }
0xab: {  	[dreg:$0x4] =	wrdreg $0xC0  }
0xac: {  	_ =	task [dreg:s8], $0x5FFFF  }
0xad: {  	[dreg:$0x1] =	wrdreg $0xFFFFFFFF  }
0xae: {  	[dreg:$0x0] =	wrdreg $0x60  }
0xaf: {  	[dreg:$0x2] =	wrdreg s24  }
0xb0: {  	[dreg:$0x3] =	wrdreg s2  }
0xb1: {  	[dreg:$0x4] =	wrdreg s18  }
0xb2: {  	[dreg:$0x5] =	wrdreg $0x80000  }
0xb3: {  	[dreg:$0x6] =	wrdreg $0x9  }
0xb4: {  	_ =	task.clear_ibuf [dreg:s8], $0x7FFFF;
	_ =	strace $0x90000046  }
0xb5: {  	s29 =	simm.s32 $0x9;
	_ =	strace $0x80000048  }
0xb6: {  	_ =	swait.ge [sflag:s29], $0x1  }
0xb7: {  	[sflag:s29] =	ssyncadd.s32 $0xFFFFFFFF  }
0xb8: {  	_ =	strace $0x90000048  }
0xb9: {  	_ =	sfence  }
0xba: {  	s30 =	sld [smem:$0x0];
	_ =	sdelay $0x2  }
0xbb: {  	s31 =	sshll.u32 s1, $0xD;
	s1 =	sshrl.u32 s1, $0x2  }
0xbc: {  	s3 =	sand.u32 $0x4000, s31;
	s1 =	sadd.s32 s1, s30  }
0xbd: {  	s0 =	sor.u32 s3, s0;
	s1 =	sshll.u32 s1, $0x11  }
0xbe: {  	s0 =	sor.u32 s1, s0  }
0xbf: {  	s0 =	sadd.s32 $0x8F2B, s0  }
0xc0: {  	[sflag:s0] =	ssyncadd.remote.s32 $0x1  }
0xc1: {  	_ =	sfence.sel $0xFFFF  }
0xc2: {  	[dreg:$0x0] =	wrdreg $0xFFFFFFFF;
	(pc) =	sbr.abs _section_cstart, $3  }
0xc3: {  	[dreg:$0x1] =	wrdreg $0xFFFFFFFF  }
0xc4: {  	_ =	task.clear_ibuf [dreg:s8], $0x2FFFF;
	_ =	strace $0x9FFFFFFF  }
0xc5: {  	(tm) =	ssettm $0x7FFFFFFF  }
tec
execute0_lowered:
.L_overlay_start_1:
0x0: {  	(tag) =	ssettag $0x1  }
0x1: {  	s0 =	rddreg [dreg:$0x0]  }
0x2: {  	s1 =	rddreg [dreg:$0x1]  }
0x3: {  	s2 =	rddreg [dreg:$0x3];
	s3 =	simm.s32 $0x0  }
0x4: {  	s8 =	srdreg.scid;
	s9 =	stileid.u32;
	s15 =	simm.s32 $0x7  }
0x5: {  	s16 =	simm.s32 $0x50;
	s17 =	simm.s32 $0x800;
	s18 =	simm.s32 $0x3000  }
0x6: {  	s19 =	simm.s32 $0x5800;
	s20 =	simm.s32 $0x1;
	s21 =	simm.s32 $0x2  }
0x7: {  	s22 =	simm.s32 $0x3;
	s23 =	simm.s32 $0x4;
	s24 =	simm.s32 $0x5  }
0x8: {  	s25 =	simm.s32 $0x6;
	s26 =	simm.s32 $0x0;
	[smem:$0x7FF] =	sst s3  }
0x9: {  	s4 =	sadd.s32 $0x5BC00, s0;
	s5 =	sadd.s32 $0x34A00, s0;
	s6 =	sadd.s32 $0x1BA00, s0  }
0xa: {  	s7 =	sadd.s32 $0x2A00, s0;
	s8 =	sand.u32 $0x1, s8;
	s12 =	sshll.u32 s9, $0x1  }
0xb: {  	s30 =	smul.u32 $0x4E200, s9;
	p0 =	sne.s32 s9, $0x0;
	_ =	strace $0x80000047  }
0xc: {  	s11 =	smul.u32 $0x27100, s8;
	s10 =	ssub.s32 $0x2, s8;
	s8 =	sor.u32 s8, s12  }
0xd: {  	s14 =	sshrl.u32 @!p0 s2, $0x3;
	s13 =	sshrl.u32 s10, $0x1;
	s1 =	sadd.s32 s30, s1  }
0xe: {  	s8 =	smul.u32 $0x6400, s8;
	s0 =	sadd.s32 s11, s0;
	s1 =	sadd.s32 s11, s1  }
0xf: {  	s10 =	ssub.s32 s10, s13;
	s31 =	sadd.s32 $0xA46E00, s0;
	[dreg:$0x7] =	wrdreg s1  }
0x10: {  	s10 =	smax.u32 s10, $0x1;
	s0 =	sadd.s32 s30, s0;
	[dreg:$0x5] =	wrdreg s31  }
0x11: {  	[dreg:$0x6] =	wrdreg s10;
	s12 =	sadd.s32 $0x82E00, s0;
	s13 =	sadd.s32 $0x564E00, s0  }
.LBB2_1:
0x12: {  	s0 =	simm.s32 @!p0 $0x1C07;
	s1 =	rddreg [dreg:$0x2]  }
0x13: {  	[spmem:s14], [sflag:s0] =	dma.local @!p0 [hbm:s1], $0x27100  }
0x14: {  	s0 =	simm.s32 @!p0 $0x7  }
0x15: {  	_ =	swait.ge @!p0 [sflag:s0], $0x27100  }
0x16: {  	[sflag:s0] =	ssyncset.done @!p0 $0x0  }
0x17: {  	[sflag:s0] =	ssyncadd.s32 @!p0 $0xFFFD8F00  }
0x18: {  	s28 =	smov.u32 s13;
	[bflag:$0x0] =	sbarrier.arrive $0xFFFF  }
0x19: {  	s29 =	smov.u32 s12;
	s31 =	simm.s32 $0x0;
	s30 =	rddreg [dreg:$0x7]  }
.LBB2_2:
0x1a: {  	s0 =	sshll.u32 s31, $0xA  }
0x1b: {  	s0 =	sadd.s32 s8, s0  }
0x1c: {  	s1 =	sshrl.u32 s0, $0x3  }
0x1d: {  	s0 =	simm.s32 $0x0;
	s9 =	sadd.s32 s6, s1  }
0x1e: {  	[tilespmem:s0], [sflag:$0x7] =	stream.linear.gather [hbm4b:s9+s0], $0x280, $0x38;
	[tilespmem:$0x1B880] =	vst v63  }
0x1f: {  	_ =	swait.ge [sflag:s15], $0x280  }
0x20: {  	[sflag:s15] =	ssyncset.done $0x0  }
0x21: {  	s10 =	sadd.s32 s7, s1;
	s1 =	simm.s32 $0x400;
	[sflag:s15] =	ssyncadd.s32 $0xFFFFFD80  }
0x22: {  	[tilespmem:s1], [sflag:$0x7] =	stream.linear.gather [hbm4b:s10+s0], $0x280, $0x38;
	[tilespmem:$0x1B880] =	vst v63  }
0x23: {  	_ =	swait.ge [sflag:s15], $0x280  }
0x24: {  	[sflag:s15] =	ssyncset.done $0x0  }
0x25: {  	[sflag:s15] =	ssyncadd.s32 $0xFFFFFD80  }
0x26: {  	[tilespmem:s17], [sflag:$0x1] =	stream.indirect.gather [hbm4b:s4+s16], $0x80, s0, s16, $0xb8;
	[tilespmem:$0x1B880] =	vst v63  }
0x27: {  	_ = 	snop  }
0x28: {  	[tilespmem:s18], [sflag:$0x2] =	stream.indirect.gather [hbm4b:s5+s16], $0x80, s1, s16, $0xb8;
	[tilespmem:$0x1B880] =	vst v63  }
0x29: {  	s11 =	sadd.s32 $0x0, s30  }
0x2a: {  	[tilespmem:s19], [sflag:$0x3] =	stream.linear.gather [hbm4b:s11+s3], $0x2800, $0x38;
	[tilespmem:$0x1B880] =	vst v63  }
0x2b: {  	_ =	swait.ge [sflag:s20], $0x2800  }
0x2c: {  	[sflag:s20] =	ssyncset.done $0x0  }
0x2d: {  	s10 =	sadd.s32 $0x0, s29;
	[sflag:s20] =	ssyncadd.s32 $0xFFFFD800  }
0x2e: {  	[hbm4b:s10+s3] =	stream.linear.scatter [tilespmem:s17], [sflag:$0x4], $0x2800, $0x38;
	[tilespmem:$0x1B880] =	vst v63  }
0x2f: {  	_ =	swait.ge [sflag:s21], $0x2800  }
0x30: {  	[sflag:s21] =	ssyncset.done $0x0  }
0x31: {  	s11 =	sadd.s32 $0x0, s28;
	[sflag:s21] =	ssyncadd.s32 $0xFFFFD800  }
0x32: {  	[hbm4b:s11+s3] =	stream.linear.scatter [tilespmem:s18], [sflag:$0x5], $0x2800, $0x38;
	[tilespmem:$0x1B880] =	vst v63  }
0x33: {  	_ =	swait.ge [sflag:s22], $0x2800  }
0x34: {  	[sflag:s22] =	ssyncset.done $0x0  }
0x35: {  	[sflag:s22] =	ssyncadd.s32 $0xFFFFD800  }
0x36: {  	[spmem:s2] =	stream.indirect.scatter.add.f32 [tilespmem:s19], [sflag:$0x6], $0x80, s1, s16, $0xb8;
	[tilespmem:$0x1B880] =	vst v63  }
0x37: {  	_ =	swait.ge [sflag:s23], $0x2800  }
0x38: {  	[sflag:s23] =	ssyncset.done $0x0  }
0x39: {  	[sflag:s23] =	ssyncadd.s32 $0xFFFFD800  }
0x3a: {  	_ =	swait.ge [sflag:s24], $0x2800  }
0x3b: {  	[sflag:s24] =	ssyncset.done $0x0  }
0x3c: {  	[sflag:s24] =	ssyncadd.s32 $0xFFFFD800  }
0x3d: {  	_ =	swait.ge [sflag:s25], $0x2800  }
0x3e: {  	s9 =	simm.s32 $0x500;
	[sflag:s25] =	ssyncset.done $0x0  }
.LBB2_3:
0x3f: {  	[sflag:s25] =	ssyncadd.s32 $0xFFFFD800;
	s0 =	sadd.s32 $0x80, s0;
	s1 =	sadd.s32 $0x80, s1  }
0x40: {  	[tilespmem:s17], [sflag:$0x1] =	stream.indirect.gather [hbm4b:s4+s16], $0x80, s0, s16, $0xb8;
	[tilespmem:$0x1B880] =	vst v63  }
0x41: {  	p1 =	sne.s32 s9, $0x1400;
	s10 =	smov.u32 s9;
	s9 =	sadd.s32 $0x500, s9  }
0x42: {  	[tilespmem:s18], [sflag:$0x2] =	stream.indirect.gather [hbm4b:s5+s16], $0x80, s1, s16, $0xb8;
	[tilespmem:$0x1B880] =	vst v63  }
0x43: {  	s11 =	sadd.s32 s10, s30  }
0x44: {  	[tilespmem:s19], [sflag:$0x3] =	stream.linear.gather [hbm4b:s11+s3], $0x2800, $0x38;
	[tilespmem:$0x1B880] =	vst v63  }
0x45: {  	_ =	swait.ge [sflag:s20], $0x2800  }
0x46: {  	[sflag:s20] =	ssyncset.done $0x0  }
0x47: {  	s11 =	sadd.s32 s10, s29;
	[sflag:s20] =	ssyncadd.s32 $0xFFFFD800  }
0x48: {  	[hbm4b:s11+s3] =	stream.linear.scatter [tilespmem:s17], [sflag:$0x4], $0x2800, $0x38;
	[tilespmem:$0x1B880] =	vst v63  }
0x49: {  	_ =	swait.ge [sflag:s21], $0x2800  }
0x4a: {  	[sflag:s21] =	ssyncset.done $0x0  }
0x4b: {  	s10 =	sadd.s32 s10, s28;
	[sflag:s21] =	ssyncadd.s32 $0xFFFFD800  }
0x4c: {  	[hbm4b:s10+s3] =	stream.linear.scatter [tilespmem:s18], [sflag:$0x5], $0x2800, $0x38;
	[tilespmem:$0x1B880] =	vst v63  }
0x4d: {  	_ =	swait.ge [sflag:s22], $0x2800  }
0x4e: {  	[sflag:s22] =	ssyncset.done $0x0  }
0x4f: {  	[sflag:s22] =	ssyncadd.s32 $0xFFFFD800  }
0x50: {  	[spmem:s2] =	stream.indirect.scatter.add.f32 [tilespmem:s19], [sflag:$0x6], $0x80, s1, s16, $0xb8;
	[tilespmem:$0x1B880] =	vst v63  }
0x51: {  	_ =	swait.ge [sflag:s23], $0x2800  }
0x52: {  	[sflag:s23] =	ssyncset.done $0x0  }
0x53: {  	[sflag:s23] =	ssyncadd.s32 $0xFFFFD800  }
.Ltmp0:
0x54: {  	_ =	swait.ge [sflag:s24], $0x2800;
	(pc) =	sbr.rel @p1 .LBB2_3-.Ltmp0, $4  }
0x55: {  	[sflag:s24] =	ssyncset.done $0x0  }
0x56: {  	[sflag:s24] =	ssyncadd.s32 $0xFFFFD800  }
0x57: {  	_ =	swait.ge [sflag:s25], $0x2800  }
0x58: {  	[sflag:s25] =	ssyncset.done $0x0  }
0x59: {  	s31 =	sadd.s32 $0x1, s31  }
0x5a: {  	p1 =	sne.s32 s31, $0x19  }
.Ltmp1:
0x5b: {  	_ = 	snop;
	(pc) =	sbr.rel @p1 .LBB2_2-.Ltmp1, $3  }
0x5c: {  	_ =	sdelay $0x1  }
0x5d: {  	[sflag:s25] =	ssyncadd.s32 $0xFFFFD800  }
0x5e: {  	s30 =	sadd.s32 $0x1900, s30;
	s29 =	sadd.s32 $0x1900, s29;
	s28 =	sadd.s32 $0x1900, s28  }
0x5f: {  	[bflag:$0x0] =	sbarrier.arrive $0xFFFF  }
0x60: {  	s0 =	simm.s32 @!p0 $0x1C07;
	s1 =	rddreg [dreg:$0x5]  }
0x61: {  	[hbm:s1], [sflag:s0] =	dma.local @!p0 [spmem:s14], $0x27100  }
0x62: {  	s0 =	simm.s32 @!p0 $0x7  }
0x63: {  	_ =	swait.ge @!p0 [sflag:s0], $0x27100  }
0x64: {  	s26 =	sadd.s32 $0x1, s26;
	s31 =	rddreg [dreg:$0x6]  }
0x65: {  	p1 =	sne.s32 s26, s31  }
.Ltmp2:
0x66: {  	_ = 	snop;
	(pc) =	sbr.rel @p1 .LBB2_1-.Ltmp2, $3  }
0x67: {  	_ =	sdelay $0x1  }
0x68: {  	[sflag:s0] =	ssyncset.done @!p0 $0x0  }
0x69: {  	[sflag:s0] =	ssyncadd.s32 @!p0 $0xFFFD8F00  }
0x6a: {  	_ =	sfence.sel $0x180000  }
0x6b: {  	[bflag:$0x0] =	sbarrier.arrive $0xFFFF  }
0x6c: {  	_ =	strace $0x90000047  }
0x6d: {  	[bflag:$0x2] =	sbarrier.arrive $0xFFFF  }
0x6e: {  	s0 =	rddreg [dreg:$0x4]  }
0x6f: {  	s0 =	sadd.s32 @!p0 $0x100000, s0  }
0x70: {  	[sflag:s0] =	ssyncadd.tile.s32 @!p0 $0x1;
	_ =	shalt  }
.Lfunc_end2:
_tile_overlayer_lowered:
.L_overlay_start_2:
0x71: {  	(tag) =	ssettag $0x2  }
0x72: {  	s0 =	rddreg [dreg:$0x0];
	s2 =	stileid.u32  }
0x73: {  	s1 =	rddreg [dreg:$0x1];
	p0 =	sne.s32 s2, $0x0  }
0x74: {  	s3 =	rddreg [dreg:$0x2];
	[bflag:$0x3] =	sbarrier.arrive $0xFFFF;
	s2 =	simm.s32 @!p0 $0x1C07  }
0x75: {  	[timem:s3], [sflag:s2] =	dma.local @!p0 [hbm:s0], s1  }
0x76: {  	s0 =	simm.s32 @!p0 $0x7  }
0x77: {  	_ =	swait.ge @!p0 [sflag:s0], s1  }
0x78: {  	s1 =	ssub.s32 @!p0 $0x0, s1;
	[sflag:s0] =	ssyncset.done @!p0 $0x0  }
0x79: {  	[sflag:s0] =	ssyncadd.s32 @!p0 s1  }
0x7a: {  	[bflag:$0x3] =	sbarrier.arrive $0xFFFF  }
0x7b: {  	_ =	shalt  }

</sc_bundles>
